<compile_context>
chip_gen: v7x
topology: tpu7x:2x2x1
jax: 0.10.2.dev20260603
libtpu: 0.0.44.dev20260713+nightly
codegen_flags: <defaults>
</compile_context>

<pallas_src>
import functools

import jax
import jax.numpy as jnp
from jax import lax
from jax.experimental import pallas as pl
from jax.experimental.pallas import tpu as pltpu
from jax.experimental.pallas import tpu_sc as plsc

N_NODES = 10000
D_FEAT = 128
N_EDGES = 320000
K_SIGN = 1000.0
EPSILON = 5.0

NC = 2
NS = 16
NW = NC * NS
ROW_LANES = 125
EROWS = N_EDGES // ROW_LANES
KROWS = EROWS // NW
N_TRASH = 240
N_ACC = N_NODES + N_TRASH
ZCH = N_ACC // NS // 16

ROWB = 2048
GRID_C = (N_ACC + ROWB - 1) // ROWB


def _proj_body(x_ref, w_ref, o_ref):
    o_ref[...] = lax.dot_general(
        w_ref[...], x_ref[...], (((0,), (1,)), ((), ())),
        preferred_element_type=jnp.float32)


def _project(x, W):
    return pl.pallas_call(
        _proj_body,
        out_shape=jax.ShapeDtypeStruct((1, N_NODES), jnp.float32),
    )(x, W)


@functools.cache
def _make_sc_scatter():
    mesh = plsc.VectorSubcoreMesh(
        core_axis_name="c", subcore_axis_name="s",
        num_cores=NC, num_subcores=NS,
    )
    return functools.partial(
        pl.kernel,
        out_type=jax.ShapeDtypeStruct((NC, N_ACC), jnp.float32),
        mesh=mesh,
        scratch_types=[
            pltpu.VMEM((KROWS, ROW_LANES), jnp.int32),
            pltpu.VMEM((KROWS, ROW_LANES), jnp.int32),
            pltpu.VMEM((KROWS, ROW_LANES), jnp.float32),
            pltpu.VMEM((N_ACC // NS,), jnp.float32),
            pltpu.VMEM_SHARED((N_NODES,), jnp.float32),
            pltpu.VMEM_SHARED((N_ACC,), jnp.float32),
            pltpu.SemaphoreType.DMA,
            pltpu.SemaphoreType.DMA,
        ],
    )(_sc_scatter_body)


def _sc_scatter_body(xw_hbm, edge_hbm, out_hbm,
                     isrc, idst, val, zbuf, table_sh, acc_sh, gsem, ssem):
    c = lax.axis_index("c")
    s = lax.axis_index("s")
    wid = c * NS + s
    per = N_ACC // NS
    base = KROWS * wid

    ld0 = pltpu.async_copy(edge_hbm.at[0, pl.ds(base, KROWS)], isrc, ssem)
    ld1 = pltpu.async_copy(edge_hbm.at[1, pl.ds(base, KROWS)], idst, ssem)

    def _zfill(i, carry):
        zbuf[pl.ds(i * 16, 16)] = jnp.zeros((16,), jnp.float32)
        return carry
    lax.fori_loop(0, ZCH, _zfill, 0)
    pltpu.sync_copy(zbuf, acc_sh.at[pl.ds(s * per, per)])

    @pl.when(s == 0)
    def _stage_table():
        pltpu.sync_copy(xw_hbm.at[0], table_sh)

    plsc.subcore_barrier()
    ld0.wait()
    ld1.wait()

    UNR = 4
    def _fire_gather(g, carry):
        for j in range(UNR):
            pltpu.async_copy(table_sh.at[isrc.at[g * UNR + j]],
                             val.at[g * UNR + j], gsem)
        return carry
    lax.fori_loop(0, KROWS // UNR, _fire_gather, 0)

    def _drain_gather(g, carry):
        for j in range(UNR):
            pltpu.make_async_copy(table_sh.at[isrc.at[g * UNR + j]],
                                  val.at[g * UNR + j], gsem).wait()
        return carry
    lax.fori_loop(0, KROWS // UNR, _drain_gather, 0)

    def _fire_scat(g, carry):
        for j in range(UNR):
            pltpu.async_copy(val.at[g * UNR + j],
                             acc_sh.at[idst.at[g * UNR + j]], ssem, add=True)
        return carry
    lax.fori_loop(0, KROWS // UNR, _fire_scat, 0)

    def _drain_scat(g, carry):
        for j in range(UNR):
            pltpu.make_async_copy(val.at[g * UNR + j],
                                  acc_sh.at[idst.at[g * UNR + j]],
                                  ssem).wait()
        return carry
    lax.fori_loop(0, KROWS // UNR, _drain_scat, 0)

    plsc.subcore_barrier()

    @pl.when(s == 0)
    def _flush():
        pltpu.sync_copy(acc_sh, out_hbm.at[c])


def _pair_body(part_ref, o_ref):
    p = part_ref[...]
    xsum = (p[0:1, :] + p[1:2, :]) * K_SIGN
    ids = lax.broadcasted_iota(jnp.int32, (1, N_ACC), 1)
    colk = jnp.where(ids < N_NODES, xsum, 1e33)
    i = pl.program_id(0)
    seg = (part_ref[0:1, pl.ds(i * ROWB, ROWB)]
           + part_ref[1:2, pl.ds(i * ROWB, ROWB)]) * K_SIGN
    rowk = jnp.reshape(seg, (ROWB, 1)) - EPSILON
    acc = jnp.sum(jnp.tanh(rowk - colk), axis=1, keepdims=True)
    o_ref[...] = jnp.reshape(acc, (1, ROWB)) + jnp.float32(N_TRASH)


def _pairwise(part):
    return pl.pallas_call(
        _pair_body,
        grid=(GRID_C,),
        in_specs=[
            pl.BlockSpec((NC, N_ACC), lambda i: (0, 0)),
        ],
        out_specs=pl.BlockSpec((1, ROWB), lambda i: (0, i)),
        out_shape=jax.ShapeDtypeStruct((1, N_NODES), jnp.float32),
        compiler_params=pltpu.CompilerParams(
            dimension_semantics=("arbitrary",),
        ),
    )(part)


def kernel(x, edge_index, W):
    edge3 = edge_index.astype(jnp.int32).reshape(2, EROWS, ROW_LANES)
    xw = _project(x, W)
    part = _make_sc_scatter()(xw, edge3)
    out = _pairwise(part)
    return out.reshape(N_NODES)

# --- scband reference (transcript-rebuilt; emitter-appended) ---
"""Pipeline reference for scband-approx-gnn-9586367004883 (READ-ONLY COPY).

The authoritative reference and input builder live on the scoring server;
editing this copy changes nothing except your own understanding.
"""

import jax, jax.numpy as jnp
import numpy as np

N_NODES = 10000
D_FEAT = 128
N_EDGES = 320000
K_SIGN = 1000.0
EPSILON = 5.0


def setup_inputs(seed: int = 0) -> dict:
    key = jax.random.key(seed)
    k1, k2, k3 = jax.random.split(key, 3)
    x = jax.random.normal(k1, (N_NODES, D_FEAT), dtype=jnp.float32)
    edge_index = jax.random.randint(k2, (2, N_EDGES), 0, N_NODES, dtype=jnp.int64)
    # InfoCollect local layer: linear projection local_in=128 -> local_out=1,
    # followed by neighbor aggregation (scatter-add over dst nodes).
    W = jax.random.normal(k3, (D_FEAT, 1), dtype=jnp.float32) * (1.0 / np.sqrt(D_FEAT))
    return {"x": x, "edge_index": edge_index, "W": W}


def reference(x, edge_index, W):
    # InfoCollect: gather source node features, project, scatter-add into dst.
    src = edge_index[0]
    dst = edge_index[1]
    msg = x[src] @ W                                      # gather + matmul [E, 1]
    agg = jax.ops.segment_sum(msg, dst, num_segments=N_NODES)  # scatter-add [N, 1]
    X = agg.reshape(-1, 1)
    # Pairwise comparison matrix and approximate sign (CustomSignFunction fwd):
    D = X - X.T                                           # [N, N]
    D1 = jnp.tanh(K_SIGN * D - EPSILON)                   # tanh(k*input - epsilon)
    Dsum = D1.sum(axis=1, keepdims=True)                  # [N, 1]
    new_p = Dsum.squeeze()                                # refine output p_0
    return new_p

if __name__ == "__main__":
    import jax
    _d = setup_inputs()
    print(jax.jit(kernel)(*tuple(_d.values())))

</pallas_src>

<mosaic_0001>
#map = affine_map<(d0, d1) -> (0, 0)>
#map1 = affine_map<(d0, d1) -> (0, 0, 0)>
module attributes {stable_mosaic.version = 14 : i64} {
  func.func @_sc_scatter_body(%arg0: i32, %arg1: i32, %arg2: memref<1x10000xf32, #tpu.memory_space<hbm>>, %arg3: memref<2x2560x125xi32, #tpu.memory_space<hbm>>, %arg4: memref<2x10240xf32, #tpu.memory_space<hbm>>, %arg5: memref<80x125xi32, #tpu.memory_space<vmem>>, %arg6: memref<80x125xi32, #tpu.memory_space<vmem>>, %arg7: memref<80x125xf32, #tpu.memory_space<vmem>>, %arg8: memref<640xf32, #tpu.memory_space<vmem>>, %arg9: memref<10000xf32, #tpu.memory_space<vmem_shared>>, %arg10: memref<10240xf32, #tpu.memory_space<vmem_shared>>, %arg11: memref<!tpu.dma_semaphore, #tpu.memory_space<semaphore_mem>>, %arg12: memref<!tpu.dma_semaphore, #tpu.memory_space<semaphore_mem>>) attributes {dimension_semantics = [#tpu.dimension_semantics<core_parallel>, #tpu.dimension_semantics<subcore_parallel>], iteration_bounds = array<i64: 2, 16>, scalar_prefetch = 0 : i64, scratch_operands = 8 : i64, tpu.core_type = #tpu.core_type<sc_vector_subcore>, window_params = [{transform_indices = #map}, {transform_indices = #map1}, {transform_indices = #map}]} {
    %mul3A = arith.constant 16 : i32
    %mul3A_0 = arith.muli %arg0, %mul3A : i32
    %add3A = arith.addi %mul3A_0, %arg1 : i32
    %mul3A_1 = arith.constant 80 : i32
    %mul3A_2 = arith.muli %mul3A_1, %add3A : i32
    %dma_start3A = arith.constant 0 : i32
    %dma_start3A_3 = arith.constant 0 : i32
    %dma_start3A_4 = tpu.memref_slice %arg3[%dma_start3A, %mul3A_2, %dma_start3A_3] : memref<2x2560x125xi32, #tpu.memory_space<hbm>> -> memref<1x80x125xi32, #tpu.memory_space<hbm>>
    %dma_start3A_5 = tpu.memref_squeeze %dma_start3A_4 : memref<1x80x125xi32, #tpu.memory_space<hbm>> -> memref<80x125xi32, #tpu.memory_space<hbm>>
    %dma_start3A_6 = arith.constant 0 : i32
    %dma_start3A_7 = tpu.memref_slice %arg3[%dma_start3A, %mul3A_2, %dma_start3A_6] : memref<2x2560x125xi32, #tpu.memory_space<hbm>> -> memref<1x80x125xi32, #tpu.memory_space<hbm>>
    %dma_start3A_8 = tpu.memref_squeeze %dma_start3A_7 : memref<1x80x125xi32, #tpu.memory_space<hbm>> -> memref<80x125xi32, #tpu.memory_space<hbm>>
    tpu.enqueue_dma source(%dma_start3A_8 : memref<80x125xi32, #tpu.memory_space<hbm>>) target(%arg5 : memref<80x125xi32, #tpu.memory_space<vmem>>) target_semaphore(%arg12 : memref<!tpu.dma_semaphore, #tpu.memory_space<semaphore_mem>>)
    %dma_start3A_9 = arith.constant 1 : i32
    %dma_start3A_10 = arith.constant 0 : i32
    %dma_start3A_11 = tpu.memref_slice %arg3[%dma_start3A_9, %mul3A_2, %dma_start3A_10] : memref<2x2560x125xi32, #tpu.memory_space<hbm>> -> memref<1x80x125xi32, #tpu.memory_space<hbm>>
    %dma_start3A_12 = tpu.memref_squeeze %dma_start3A_11 : memref<1x80x125xi32, #tpu.memory_space<hbm>> -> memref<80x125xi32, #tpu.memory_space<hbm>>
    %dma_start3A_13 = arith.constant 0 : i32
    %dma_start3A_14 = tpu.memref_slice %arg3[%dma_start3A_9, %mul3A_2, %dma_start3A_13] : memref<2x2560x125xi32, #tpu.memory_space<hbm>> -> memref<1x80x125xi32, #tpu.memory_space<hbm>>
    %dma_start3A_15 = tpu.memref_squeeze %dma_start3A_14 : memref<1x80x125xi32, #tpu.memory_space<hbm>> -> memref<80x125xi32, #tpu.memory_space<hbm>>
    tpu.enqueue_dma source(%dma_start3A_15 : memref<80x125xi32, #tpu.memory_space<hbm>>) target(%arg6 : memref<80x125xi32, #tpu.memory_space<vmem>>) target_semaphore(%arg12 : memref<!tpu.dma_semaphore, #tpu.memory_space<semaphore_mem>>)
    %scan3A = arith.constant 0 : i32
    %scan3A_16 = arith.constant 0 : i32
    %scan3A_17 = arith.constant 40 : i32
    %scan3A_18 = arith.addi %scan3A_16, %scan3A_17 : i32
    %scan3A_19 = arith.constant 1 : i32
    scf.for %scan3A_68 = %scan3A_16 to %scan3A_18 step %scan3A_19  : i32 {
      %broadcast_in_dim3A = arith.constant 0.000000e+00 : f32
      %broadcast_in_dim3A_69 = vector.broadcast %broadcast_in_dim3A : f32 to vector<16xf32>
      %mul3A_70 = arith.constant 16 : i32
      %mul3A_71 = arith.muli %scan3A_68, %mul3A_70 : i32
      %swap3A = arith.index_cast %mul3A_71 : i32 to index
      %swap3A_72 = tpu.vector_load %arg8[%swap3A] {strides = array<i32>} : memref<640xf32, #tpu.memory_space<vmem>>, vector<16xf32>,
      %swap3A_73 = vector.shape_cast %swap3A_72 : vector<16xf32> to vector<16xf32>
      %swap3A_74 = vector.shape_cast %broadcast_in_dim3A_69 : vector<16xf32> to vector<16xf32>
      tpu.vector_store %arg8[%swap3A], %swap3A_74 {strides = array<i32>} : memref<640xf32, #tpu.memory_space<vmem>>, vector<16xf32>,
    }
    %scan3A_20 = arith.constant 40 : i32
    %mul3A_21 = arith.constant 640 : i32
    %mul3A_22 = arith.muli %arg1, %mul3A_21 : i32
    "tpu.region"() ({
      %run_scoped3A = tpu.sem_alloc : memref<!tpu.dma_semaphore, #tpu.memory_space<semaphore_mem>>
      %dma_start3A_68 = tpu.memref_slice %arg10[%mul3A_22] : memref<10240xf32, #tpu.memory_space<vmem_shared>> -> memref<640xf32, #tpu.memory_space<vmem_shared>>
      %dma_start3A_69 = tpu.memref_slice %arg10[%mul3A_22] : memref<10240xf32, #tpu.memory_space<vmem_shared>> -> memref<640xf32, #tpu.memory_space<vmem_shared>>
      tpu.enqueue_dma source(%arg8 : memref<640xf32, #tpu.memory_space<vmem>>) target(%dma_start3A_69 : memref<640xf32, #tpu.memory_space<vmem_shared>>) target_semaphore(%run_scoped3A : memref<!tpu.dma_semaphore, #tpu.memory_space<semaphore_mem>>)
      %dma_wait3A_70 = tpu.memref_slice %arg10[%mul3A_22] : memref<10240xf32, #tpu.memory_space<vmem_shared>> -> memref<640xf32, #tpu.memory_space<vmem_shared>>
      %dma_wait3A_71 = tpu.memref_slice %arg10[%mul3A_22] : memref<10240xf32, #tpu.memory_space<vmem_shared>> -> memref<640xf32, #tpu.memory_space<vmem_shared>>
      tpu.wait_dma2 semaphore(%run_scoped3A : memref<!tpu.dma_semaphore, #tpu.memory_space<semaphore_mem>>) src(%arg8 : memref<640xf32, #tpu.memory_space<vmem>>) dst(%dma_wait3A_71 : memref<640xf32, #tpu.memory_space<vmem_shared>>)
      tpu.yield
    }) : () -> ()
    %eq3A = arith.constant 0 : i32
    %eq3A_23 = arith.cmpi eq, %arg1, %eq3A : i32
    %convert_element_type3A = arith.extui %eq3A_23 : i1 to i32
    %cond3A = arith.constant 0 : i32
    %cond3A_24 = arith.cmpi ne, %convert_element_type3A, %cond3A : i32
    scf.if %cond3A_24 {
      %run_scoped3A = arith.constant 0 : i32
      "tpu.region"() ({
        %run_scoped3A_68 = tpu.sem_alloc : memref<!tpu.dma_semaphore, #tpu.memory_space<semaphore_mem>>
        %dma_start3A_69 = arith.constant 0 : i32
        %dma_start3A_70 = tpu.memref_slice %arg2[%run_scoped3A, %dma_start3A_69] : memref<1x10000xf32, #tpu.memory_space<hbm>> -> memref<1x10000xf32, #tpu.memory_space<hbm>>
        %dma_start3A_71 = tpu.memref_squeeze %dma_start3A_70 : memref<1x10000xf32, #tpu.memory_space<hbm>> -> memref<10000xf32, #tpu.memory_space<hbm>>
        tpu.enqueue_dma source(%dma_start3A_71 : memref<10000xf32, #tpu.memory_space<hbm>>) target(%arg9 : memref<10000xf32, #tpu.memory_space<vmem_shared>>) target_semaphore(%run_scoped3A_68 : memref<!tpu.dma_semaphore, #tpu.memory_space<semaphore_mem>>)
        %dma_wait3A_72 = arith.constant 0 : i32
        %dma_wait3A_73 = tpu.memref_slice %arg2[%run_scoped3A, %dma_wait3A_72] : memref<1x10000xf32, #tpu.memory_space<hbm>> -> memref<1x10000xf32, #tpu.memory_space<hbm>>
        %dma_wait3A_74 = tpu.memref_squeeze %dma_wait3A_73 : memref<1x10000xf32, #tpu.memory_space<hbm>> -> memref<10000xf32, #tpu.memory_space<hbm>>
        tpu.wait_dma2 semaphore(%run_scoped3A_68 : memref<!tpu.dma_semaphore, #tpu.memory_space<semaphore_mem>>) src(%dma_wait3A_74 : memref<10000xf32, #tpu.memory_space<hbm>>) dst(%arg9 : memref<10000xf32, #tpu.memory_space<vmem_shared>>)
        tpu.yield
      }) : () -> ()
    } else {
    }
    %barrier3A = arith.constant 0 : index
    tpu.barrier barrier_id(%barrier3A)
    %dma_wait3A = arith.constant 0 : i32
    %dma_wait3A_25 = arith.constant 0 : i32
    %dma_wait3A_26 = tpu.memref_slice %arg3[%dma_wait3A, %mul3A_2, %dma_wait3A_25] : memref<2x2560x125xi32, #tpu.memory_space<hbm>> -> memref<1x80x125xi32, #tpu.memory_space<hbm>>
    %dma_wait3A_27 = tpu.memref_squeeze %dma_wait3A_26 : memref<1x80x125xi32, #tpu.memory_space<hbm>> -> memref<80x125xi32, #tpu.memory_space<hbm>>
    %dma_wait3A_28 = arith.constant 0 : i32
    %dma_wait3A_29 = tpu.memref_slice %arg3[%dma_wait3A, %mul3A_2, %dma_wait3A_28] : memref<2x2560x125xi32, #tpu.memory_space<hbm>> -> memref<1x80x125xi32, #tpu.memory_space<hbm>>
    %dma_wait3A_30 = tpu.memref_squeeze %dma_wait3A_29 : memref<1x80x125xi32, #tpu.memory_space<hbm>> -> memref<80x125xi32, #tpu.memory_space<hbm>>
    tpu.wait_dma2 semaphore(%arg12 : memref<!tpu.dma_semaphore, #tpu.memory_space<semaphore_mem>>) src(%dma_wait3A_30 : memref<80x125xi32, #tpu.memory_space<hbm>>) dst(%arg5 : memref<80x125xi32, #tpu.memory_space<vmem>>)
    %dma_wait3A_31 = arith.constant 1 : i32
    %dma_wait3A_32 = arith.constant 0 : i32
    %dma_wait3A_33 = tpu.memref_slice %arg3[%dma_wait3A_31, %mul3A_2, %dma_wait3A_32] : memref<2x2560x125xi32, #tpu.memory_space<hbm>> -> memref<1x80x125xi32, #tpu.memory_space<hbm>>
    %dma_wait3A_34 = tpu.memref_squeeze %dma_wait3A_33 : memref<1x80x125xi32, #tpu.memory_space<hbm>> -> memref<80x125xi32, #tpu.memory_space<hbm>>
    %dma_wait3A_35 = arith.constant 0 : i32
    %dma_wait3A_36 = tpu.memref_slice %arg3[%dma_wait3A_31, %mul3A_2, %dma_wait3A_35] : memref<2x2560x125xi32, #tpu.memory_space<hbm>> -> memref<1x80x125xi32, #tpu.memory_space<hbm>>
    %dma_wait3A_37 = tpu.memref_squeeze %dma_wait3A_36 : memref<1x80x125xi32, #tpu.memory_space<hbm>> -> memref<80x125xi32, #tpu.memory_space<hbm>>
    tpu.wait_dma2 semaphore(%arg12 : memref<!tpu.dma_semaphore, #tpu.memory_space<semaphore_mem>>) src(%dma_wait3A_37 : memref<80x125xi32, #tpu.memory_space<hbm>>) dst(%arg6 : memref<80x125xi32, #tpu.memory_space<vmem>>)
    %scan3A_38 = arith.constant 0 : i32
    %scan3A_39 = arith.constant 0 : i32
    %scan3A_40 = arith.constant 20 : i32
    %scan3A_41 = arith.addi %scan3A_39, %scan3A_40 : i32
    %scan3A_42 = arith.constant 1 : i32
    scf.for %scan3A_68 = %scan3A_39 to %scan3A_41 step %scan3A_42  : i32 {
      %mul3A_69 = arith.constant 4 : i32
      %mul3A_70 = arith.muli %scan3A_68, %mul3A_69 : i32
      %add3A_71 = arith.constant 0 : i32
      %add3A_72 = arith.addi %mul3A_70, %add3A_71 : i32
      %mul3A_73 = arith.constant 4 : i32
      %mul3A_74 = arith.muli %scan3A_68, %mul3A_73 : i32
      %add3A_75 = arith.constant 0 : i32
      %add3A_76 = arith.addi %mul3A_74, %add3A_75 : i32
      %dma_start3A_77 = arith.constant 0 : i32
      %dma_start3A_78 = tpu.memref_slice %arg7[%add3A_76, %dma_start3A_77] : memref<80x125xf32, #tpu.memory_space<vmem>> -> memref<1x125xf32, #tpu.memory_space<vmem>>
      %dma_start3A_79 = tpu.memref_squeeze %dma_start3A_78 : memref<1x125xf32, #tpu.memory_space<vmem>> -> memref<125xf32, #tpu.memory_space<vmem>>
      %dma_start3A_80 = arith.constant 0 : i32
      %dma_start3A_81 = tpu.memref_slice %arg5[%add3A_72, %dma_start3A_80] : memref<80x125xi32, #tpu.memory_space<vmem>> -> memref<1x125xi32, #tpu.memory_space<vmem>>
      %dma_start3A_82 = tpu.memref_squeeze %dma_start3A_81 : memref<1x125xi32, #tpu.memory_space<vmem>> -> memref<125xi32, #tpu.memory_space<vmem>>
      %dma_start3A_83 = arith.constant 0 : i32
      %dma_start3A_84 = tpu.memref_slice %arg9[%dma_start3A_83] : memref<10000xf32, #tpu.memory_space<vmem_shared>> -> memref<10000xf32, #tpu.memory_space<vmem_shared>>
      tpu.enqueue_indirect_dma source(%dma_start3A_84 : memref<10000xf32, #tpu.memory_space<vmem_shared>>) target(%dma_start3A_79 : memref<125xf32, #tpu.memory_space<vmem>>) offsets(%dma_start3A_82 : memref<125xi32, #tpu.memory_space<vmem>>) semaphore(%arg11 : memref<!tpu.dma_semaphore, #tpu.memory_space<semaphore_mem>>)
      %mul3A_85 = arith.constant 4 : i32
      %mul3A_86 = arith.muli %scan3A_68, %mul3A_85 : i32
      %add3A_87 = arith.constant 1 : i32
      %add3A_88 = arith.addi %mul3A_86, %add3A_87 : i32
      %mul3A_89 = arith.constant 4 : i32
      %mul3A_90 = arith.muli %scan3A_68, %mul3A_89 : i32
      %add3A_91 = arith.constant 1 : i32
      %add3A_92 = arith.addi %mul3A_90, %add3A_91 : i32
      %dma_start3A_93 = arith.constant 0 : i32
      %dma_start3A_94 = tpu.memref_slice %arg7[%add3A_92, %dma_start3A_93] : memref<80x125xf32, #tpu.memory_space<vmem>> -> memref<1x125xf32, #tpu.memory_space<vmem>>
      %dma_start3A_95 = tpu.memref_squeeze %dma_start3A_94 : memref<1x125xf32, #tpu.memory_space<vmem>> -> memref<125xf32, #tpu.memory_space<vmem>>
      %dma_start3A_96 = arith.constant 0 : i32
      %dma_start3A_97 = tpu.memref_slice %arg5[%add3A_88, %dma_start3A_96] : memref<80x125xi32, #tpu.memory_space<vmem>> -> memref<1x125xi32, #tpu.memory_space<vmem>>
      %dma_start3A_98 = tpu.memref_squeeze %dma_start3A_97 : memref<1x125xi32, #tpu.memory_space<vmem>> -> memref<125xi32, #tpu.memory_space<vmem>>
      %dma_start3A_99 = arith.constant 0 : i32
      %dma_start3A_100 = tpu.memref_slice %arg9[%dma_start3A_99] : memref<10000xf32, #tpu.memory_space<vmem_shared>> -> memref<10000xf32, #tpu.memory_space<vmem_shared>>
      tpu.enqueue_indirect_dma source(%dma_start3A_100 : memref<10000xf32, #tpu.memory_space<vmem_shared>>) target(%dma_start3A_95 : memref<125xf32, #tpu.memory_space<vmem>>) offsets(%dma_start3A_98 : memref<125xi32, #tpu.memory_space<vmem>>) semaphore(%arg11 : memref<!tpu.dma_semaphore, #tpu.memory_space<semaphore_mem>>)
      %mul3A_101 = arith.constant 4 : i32
      %mul3A_102 = arith.muli %scan3A_68, %mul3A_101 : i32
      %add3A_103 = arith.constant 2 : i32
      %add3A_104 = arith.addi %mul3A_102, %add3A_103 : i32
      %mul3A_105 = arith.constant 4 : i32
      %mul3A_106 = arith.muli %scan3A_68, %mul3A_105 : i32
      %add3A_107 = arith.constant 2 : i32
      %add3A_108 = arith.addi %mul3A_106, %add3A_107 : i32
      %dma_start3A_109 = arith.constant 0 : i32
      %dma_start3A_110 = tpu.memref_slice %arg7[%add3A_108, %dma_start3A_109] : memref<80x125xf32, #tpu.memory_space<vmem>> -> memref<1x125xf32, #tpu.memory_space<vmem>>
      %dma_start3A_111 = tpu.memref_squeeze %dma_start3A_110 : memref<1x125xf32, #tpu.memory_space<vmem>> -> memref<125xf32, #tpu.memory_space<vmem>>
      %dma_start3A_112 = arith.constant 0 : i32
      %dma_start3A_113 = tpu.memref_slice %arg5[%add3A_104, %dma_start3A_112] : memref<80x125xi32, #tpu.memory_space<vmem>> -> memref<1x125xi32, #tpu.memory_space<vmem>>
      %dma_start3A_114 = tpu.memref_squeeze %dma_start3A_113 : memref<1x125xi32, #tpu.memory_space<vmem>> -> memref<125xi32, #tpu.memory_space<vmem>>
      %dma_start3A_115 = arith.constant 0 : i32
      %dma_start3A_116 = tpu.memref_slice %arg9[%dma_start3A_115] : memref<10000xf32, #tpu.memory_space<vmem_shared>> -> memref<10000xf32, #tpu.memory_space<vmem_shared>>
      tpu.enqueue_indirect_dma source(%dma_start3A_116 : memref<10000xf32, #tpu.memory_space<vmem_shared>>) target(%dma_start3A_111 : memref<125xf32, #tpu.memory_space<vmem>>) offsets(%dma_start3A_114 : memref<125xi32, #tpu.memory_space<vmem>>) semaphore(%arg11 : memref<!tpu.dma_semaphore, #tpu.memory_space<semaphore_mem>>)
      %mul3A_117 = arith.constant 4 : i32
      %mul3A_118 = arith.muli %scan3A_68, %mul3A_117 : i32
      %add3A_119 = arith.constant 3 : i32
      %add3A_120 = arith.addi %mul3A_118, %add3A_119 : i32
      %mul3A_121 = arith.constant 4 : i32
      %mul3A_122 = arith.muli %scan3A_68, %mul3A_121 : i32
      %add3A_123 = arith.constant 3 : i32
      %add3A_124 = arith.addi %mul3A_122, %add3A_123 : i32
      %dma_start3A_125 = arith.constant 0 : i32
      %dma_start3A_126 = tpu.memref_slice %arg7[%add3A_124, %dma_start3A_125] : memref<80x125xf32, #tpu.memory_space<vmem>> -> memref<1x125xf32, #tpu.memory_space<vmem>>
      %dma_start3A_127 = tpu.memref_squeeze %dma_start3A_126 : memref<1x125xf32, #tpu.memory_space<vmem>> -> memref<125xf32, #tpu.memory_space<vmem>>
      %dma_start3A_128 = arith.constant 0 : i32
      %dma_start3A_129 = tpu.memref_slice %arg5[%add3A_120, %dma_start3A_128] : memref<80x125xi32, #tpu.memory_space<vmem>> -> memref<1x125xi32, #tpu.memory_space<vmem>>
      %dma_start3A_130 = tpu.memref_squeeze %dma_start3A_129 : memref<1x125xi32, #tpu.memory_space<vmem>> -> memref<125xi32, #tpu.memory_space<vmem>>
      %dma_start3A_131 = arith.constant 0 : i32
      %dma_start3A_132 = tpu.memref_slice %arg9[%dma_start3A_131] : memref<10000xf32, #tpu.memory_space<vmem_shared>> -> memref<10000xf32, #tpu.memory_space<vmem_shared>>
      tpu.enqueue_indirect_dma source(%dma_start3A_132 : memref<10000xf32, #tpu.memory_space<vmem_shared>>) target(%dma_start3A_127 : memref<125xf32, #tpu.memory_space<vmem>>) offsets(%dma_start3A_130 : memref<125xi32, #tpu.memory_space<vmem>>) semaphore(%arg11 : memref<!tpu.dma_semaphore, #tpu.memory_space<semaphore_mem>>)
    }
    %scan3A_43 = arith.constant 20 : i32
    %scan3A_44 = arith.constant 0 : i32
    %scan3A_45 = arith.constant 0 : i32
    %scan3A_46 = arith.constant 20 : i32
    %scan3A_47 = arith.addi %scan3A_45, %scan3A_46 : i32
    %scan3A_48 = arith.constant 1 : i32
    scf.for %scan3A_68 = %scan3A_45 to %scan3A_47 step %scan3A_48  : i32 {
      %mul3A_69 = arith.constant 4 : i32
      %mul3A_70 = arith.muli %scan3A_68, %mul3A_69 : i32
      %add3A_71 = arith.constant 0 : i32
      %add3A_72 = arith.addi %mul3A_70, %add3A_71 : i32
      %mul3A_73 = arith.constant 4 : i32
      %mul3A_74 = arith.muli %scan3A_68, %mul3A_73 : i32
      %add3A_75 = arith.constant 0 : i32
      %add3A_76 = arith.addi %mul3A_74, %add3A_75 : i32
      %dma_wait3A_77 = arith.constant 0 : i32
      %dma_wait3A_78 = tpu.memref_slice %arg7[%add3A_76, %dma_wait3A_77] : memref<80x125xf32, #tpu.memory_space<vmem>> -> memref<1x125xf32, #tpu.memory_space<vmem>>
      %dma_wait3A_79 = tpu.memref_squeeze %dma_wait3A_78 : memref<1x125xf32, #tpu.memory_space<vmem>> -> memref<125xf32, #tpu.memory_space<vmem>>
      %dma_wait3A_80 = arith.constant 0 : i32
      %dma_wait3A_81 = tpu.memref_slice %arg5[%add3A_72, %dma_wait3A_80] : memref<80x125xi32, #tpu.memory_space<vmem>> -> memref<1x125xi32, #tpu.memory_space<vmem>>
      %dma_wait3A_82 = tpu.memref_squeeze %dma_wait3A_81 : memref<1x125xi32, #tpu.memory_space<vmem>> -> memref<125xi32, #tpu.memory_space<vmem>>
      %dma_wait3A_83 = arith.constant 0 : i32
      %dma_wait3A_84 = tpu.memref_slice %arg9[%dma_wait3A_83] : memref<10000xf32, #tpu.memory_space<vmem_shared>> -> memref<10000xf32, #tpu.memory_space<vmem_shared>>
      tpu.wait_indirect_dma semaphore(%arg11 : memref<!tpu.dma_semaphore, #tpu.memory_space<semaphore_mem>>) src(%dma_wait3A_84 : memref<10000xf32, #tpu.memory_space<vmem_shared>>) dst(%dma_wait3A_79 : memref<125xf32, #tpu.memory_space<vmem>>)
      %mul3A_85 = arith.constant 4 : i32
      %mul3A_86 = arith.muli %scan3A_68, %mul3A_85 : i32
      %add3A_87 = arith.constant 1 : i32
      %add3A_88 = arith.addi %mul3A_86, %add3A_87 : i32
      %mul3A_89 = arith.constant 4 : i32
      %mul3A_90 = arith.muli %scan3A_68, %mul3A_89 : i32
      %add3A_91 = arith.constant 1 : i32
      %add3A_92 = arith.addi %mul3A_90, %add3A_91 : i32
      %dma_wait3A_93 = arith.constant 0 : i32
      %dma_wait3A_94 = tpu.memref_slice %arg7[%add3A_92, %dma_wait3A_93] : memref<80x125xf32, #tpu.memory_space<vmem>> -> memref<1x125xf32, #tpu.memory_space<vmem>>
      %dma_wait3A_95 = tpu.memref_squeeze %dma_wait3A_94 : memref<1x125xf32, #tpu.memory_space<vmem>> -> memref<125xf32, #tpu.memory_space<vmem>>
      %dma_wait3A_96 = arith.constant 0 : i32
      %dma_wait3A_97 = tpu.memref_slice %arg5[%add3A_88, %dma_wait3A_96] : memref<80x125xi32, #tpu.memory_space<vmem>> -> memref<1x125xi32, #tpu.memory_space<vmem>>
      %dma_wait3A_98 = tpu.memref_squeeze %dma_wait3A_97 : memref<1x125xi32, #tpu.memory_space<vmem>> -> memref<125xi32, #tpu.memory_space<vmem>>
      %dma_wait3A_99 = arith.constant 0 : i32
      %dma_wait3A_100 = tpu.memref_slice %arg9[%dma_wait3A_99] : memref<10000xf32, #tpu.memory_space<vmem_shared>> -> memref<10000xf32, #tpu.memory_space<vmem_shared>>
      tpu.wait_indirect_dma semaphore(%arg11 : memref<!tpu.dma_semaphore, #tpu.memory_space<semaphore_mem>>) src(%dma_wait3A_100 : memref<10000xf32, #tpu.memory_space<vmem_shared>>) dst(%dma_wait3A_95 : memref<125xf32, #tpu.memory_space<vmem>>)
      %mul3A_101 = arith.constant 4 : i32
      %mul3A_102 = arith.muli %scan3A_68, %mul3A_101 : i32
      %add3A_103 = arith.constant 2 : i32
      %add3A_104 = arith.addi %mul3A_102, %add3A_103 : i32
      %mul3A_105 = arith.constant 4 : i32
      %mul3A_106 = arith.muli %scan3A_68, %mul3A_105 : i32
      %add3A_107 = arith.constant 2 : i32
      %add3A_108 = arith.addi %mul3A_106, %add3A_107 : i32
      %dma_wait3A_109 = arith.constant 0 : i32
      %dma_wait3A_110 = tpu.memref_slice %arg7[%add3A_108, %dma_wait3A_109] : memref<80x125xf32, #tpu.memory_space<vmem>> -> memref<1x125xf32, #tpu.memory_space<vmem>>
      %dma_wait3A_111 = tpu.memref_squeeze %dma_wait3A_110 : memref<1x125xf32, #tpu.memory_space<vmem>> -> memref<125xf32, #tpu.memory_space<vmem>>
      %dma_wait3A_112 = arith.constant 0 : i32
      %dma_wait3A_113 = tpu.memref_slice %arg5[%add3A_104, %dma_wait3A_112] : memref<80x125xi32, #tpu.memory_space<vmem>> -> memref<1x125xi32, #tpu.memory_space<vmem>>
      %dma_wait3A_114 = tpu.memref_squeeze %dma_wait3A_113 : memref<1x125xi32, #tpu.memory_space<vmem>> -> memref<125xi32, #tpu.memory_space<vmem>>
      %dma_wait3A_115 = arith.constant 0 : i32
      %dma_wait3A_116 = tpu.memref_slice %arg9[%dma_wait3A_115] : memref<10000xf32, #tpu.memory_space<vmem_shared>> -> memref<10000xf32, #tpu.memory_space<vmem_shared>>
      tpu.wait_indirect_dma semaphore(%arg11 : memref<!tpu.dma_semaphore, #tpu.memory_space<semaphore_mem>>) src(%dma_wait3A_116 : memref<10000xf32, #tpu.memory_space<vmem_shared>>) dst(%dma_wait3A_111 : memref<125xf32, #tpu.memory_space<vmem>>)
      %mul3A_117 = arith.constant 4 : i32
      %mul3A_118 = arith.muli %scan3A_68, %mul3A_117 : i32
      %add3A_119 = arith.constant 3 : i32
      %add3A_120 = arith.addi %mul3A_118, %add3A_119 : i32
      %mul3A_121 = arith.constant 4 : i32
      %mul3A_122 = arith.muli %scan3A_68, %mul3A_121 : i32
      %add3A_123 = arith.constant 3 : i32
      %add3A_124 = arith.addi %mul3A_122, %add3A_123 : i32
      %dma_wait3A_125 = arith.constant 0 : i32
      %dma_wait3A_126 = tpu.memref_slice %arg7[%add3A_124, %dma_wait3A_125] : memref<80x125xf32, #tpu.memory_space<vmem>> -> memref<1x125xf32, #tpu.memory_space<vmem>>
      %dma_wait3A_127 = tpu.memref_squeeze %dma_wait3A_126 : memref<1x125xf32, #tpu.memory_space<vmem>> -> memref<125xf32, #tpu.memory_space<vmem>>
      %dma_wait3A_128 = arith.constant 0 : i32
      %dma_wait3A_129 = tpu.memref_slice %arg5[%add3A_120, %dma_wait3A_128] : memref<80x125xi32, #tpu.memory_space<vmem>> -> memref<1x125xi32, #tpu.memory_space<vmem>>
      %dma_wait3A_130 = tpu.memref_squeeze %dma_wait3A_129 : memref<1x125xi32, #tpu.memory_space<vmem>> -> memref<125xi32, #tpu.memory_space<vmem>>
      %dma_wait3A_131 = arith.constant 0 : i32
      %dma_wait3A_132 = tpu.memref_slice %arg9[%dma_wait3A_131] : memref<10000xf32, #tpu.memory_space<vmem_shared>> -> memref<10000xf32, #tpu.memory_space<vmem_shared>>
      tpu.wait_indirect_dma semaphore(%arg11 : memref<!tpu.dma_semaphore, #tpu.memory_space<semaphore_mem>>) src(%dma_wait3A_132 : memref<10000xf32, #tpu.memory_space<vmem_shared>>) dst(%dma_wait3A_127 : memref<125xf32, #tpu.memory_space<vmem>>)
    }
    %scan3A_49 = arith.constant 20 : i32
    %scan3A_50 = arith.constant 0 : i32
    %scan3A_51 = arith.constant 0 : i32
    %scan3A_52 = arith.constant 20 : i32
    %scan3A_53 = arith.addi %scan3A_51, %scan3A_52 : i32
    %scan3A_54 = arith.constant 1 : i32
    scf.for %scan3A_68 = %scan3A_51 to %scan3A_53 step %scan3A_54  : i32 {
      %mul3A_69 = arith.constant 4 : i32
      %mul3A_70 = arith.muli %scan3A_68, %mul3A_69 : i32
      %add3A_71 = arith.constant 0 : i32
      %add3A_72 = arith.addi %mul3A_70, %add3A_71 : i32
      %mul3A_73 = arith.constant 4 : i32
      %mul3A_74 = arith.muli %scan3A_68, %mul3A_73 : i32
      %add3A_75 = arith.constant 0 : i32
      %add3A_76 = arith.addi %mul3A_74, %add3A_75 : i32
      %dma_start3A_77 = arith.constant 0 : i32
      %dma_start3A_78 = tpu.memref_slice %arg7[%add3A_72, %dma_start3A_77] : memref<80x125xf32, #tpu.memory_space<vmem>> -> memref<1x125xf32, #tpu.memory_space<vmem>>
      %dma_start3A_79 = tpu.memref_squeeze %dma_start3A_78 : memref<1x125xf32, #tpu.memory_space<vmem>> -> memref<125xf32, #tpu.memory_space<vmem>>
      %dma_start3A_80 = arith.constant 0 : i32
      %dma_start3A_81 = tpu.memref_slice %arg6[%add3A_76, %dma_start3A_80] : memref<80x125xi32, #tpu.memory_space<vmem>> -> memref<1x125xi32, #tpu.memory_space<vmem>>
      %dma_start3A_82 = tpu.memref_squeeze %dma_start3A_81 : memref<1x125xi32, #tpu.memory_space<vmem>> -> memref<125xi32, #tpu.memory_space<vmem>>
      %dma_start3A_83 = arith.constant 0 : i32
      %dma_start3A_84 = tpu.memref_slice %arg10[%dma_start3A_83] : memref<10240xf32, #tpu.memory_space<vmem_shared>> -> memref<10240xf32, #tpu.memory_space<vmem_shared>>
      tpu.enqueue_indirect_dma source(%dma_start3A_79 : memref<125xf32, #tpu.memory_space<vmem>>) target(%dma_start3A_84 : memref<10240xf32, #tpu.memory_space<vmem_shared>>) offsets(%dma_start3A_82 : memref<125xi32, #tpu.memory_space<vmem>>) semaphore(%arg12 : memref<!tpu.dma_semaphore, #tpu.memory_space<semaphore_mem>>) {add = true}
      %mul3A_85 = arith.constant 4 : i32
      %mul3A_86 = arith.muli %scan3A_68, %mul3A_85 : i32
      %add3A_87 = arith.constant 1 : i32
      %add3A_88 = arith.addi %mul3A_86, %add3A_87 : i32
      %mul3A_89 = arith.constant 4 : i32
      %mul3A_90 = arith.muli %scan3A_68, %mul3A_89 : i32
      %add3A_91 = arith.constant 1 : i32
      %add3A_92 = arith.addi %mul3A_90, %add3A_91 : i32
      %dma_start3A_93 = arith.constant 0 : i32
      %dma_start3A_94 = tpu.memref_slice %arg7[%add3A_88, %dma_start3A_93] : memref<80x125xf32, #tpu.memory_space<vmem>> -> memref<1x125xf32, #tpu.memory_space<vmem>>
      %dma_start3A_95 = tpu.memref_squeeze %dma_start3A_94 : memref<1x125xf32, #tpu.memory_space<vmem>> -> memref<125xf32, #tpu.memory_space<vmem>>
      %dma_start3A_96 = arith.constant 0 : i32
      %dma_start3A_97 = tpu.memref_slice %arg6[%add3A_92, %dma_start3A_96] : memref<80x125xi32, #tpu.memory_space<vmem>> -> memref<1x125xi32, #tpu.memory_space<vmem>>
      %dma_start3A_98 = tpu.memref_squeeze %dma_start3A_97 : memref<1x125xi32, #tpu.memory_space<vmem>> -> memref<125xi32, #tpu.memory_space<vmem>>
      %dma_start3A_99 = arith.constant 0 : i32
      %dma_start3A_100 = tpu.memref_slice %arg10[%dma_start3A_99] : memref<10240xf32, #tpu.memory_space<vmem_shared>> -> memref<10240xf32, #tpu.memory_space<vmem_shared>>
      tpu.enqueue_indirect_dma source(%dma_start3A_95 : memref<125xf32, #tpu.memory_space<vmem>>) target(%dma_start3A_100 : memref<10240xf32, #tpu.memory_space<vmem_shared>>) offsets(%dma_start3A_98 : memref<125xi32, #tpu.memory_space<vmem>>) semaphore(%arg12 : memref<!tpu.dma_semaphore, #tpu.memory_space<semaphore_mem>>) {add = true}
      %mul3A_101 = arith.constant 4 : i32
      %mul3A_102 = arith.muli %scan3A_68, %mul3A_101 : i32
      %add3A_103 = arith.constant 2 : i32
      %add3A_104 = arith.addi %mul3A_102, %add3A_103 : i32
      %mul3A_105 = arith.constant 4 : i32
      %mul3A_106 = arith.muli %scan3A_68, %mul3A_105 : i32
      %add3A_107 = arith.constant 2 : i32
      %add3A_108 = arith.addi %mul3A_106, %add3A_107 : i32
      %dma_start3A_109 = arith.constant 0 : i32
      %dma_start3A_110 = tpu.memref_slice %arg7[%add3A_104, %dma_start3A_109] : memref<80x125xf32, #tpu.memory_space<vmem>> -> memref<1x125xf32, #tpu.memory_space<vmem>>
      %dma_start3A_111 = tpu.memref_squeeze %dma_start3A_110 : memref<1x125xf32, #tpu.memory_space<vmem>> -> memref<125xf32, #tpu.memory_space<vmem>>
      %dma_start3A_112 = arith.constant 0 : i32
      %dma_start3A_113 = tpu.memref_slice %arg6[%add3A_108, %dma_start3A_112] : memref<80x125xi32, #tpu.memory_space<vmem>> -> memref<1x125xi32, #tpu.memory_space<vmem>>
      %dma_start3A_114 = tpu.memref_squeeze %dma_start3A_113 : memref<1x125xi32, #tpu.memory_space<vmem>> -> memref<125xi32, #tpu.memory_space<vmem>>
      %dma_start3A_115 = arith.constant 0 : i32
      %dma_start3A_116 = tpu.memref_slice %arg10[%dma_start3A_115] : memref<10240xf32, #tpu.memory_space<vmem_shared>> -> memref<10240xf32, #tpu.memory_space<vmem_shared>>
      tpu.enqueue_indirect_dma source(%dma_start3A_111 : memref<125xf32, #tpu.memory_space<vmem>>) target(%dma_start3A_116 : memref<10240xf32, #tpu.memory_space<vmem_shared>>) offsets(%dma_start3A_114 : memref<125xi32, #tpu.memory_space<vmem>>) semaphore(%arg12 : memref<!tpu.dma_semaphore, #tpu.memory_space<semaphore_mem>>) {add = true}
      %mul3A_117 = arith.constant 4 : i32
      %mul3A_118 = arith.muli %scan3A_68, %mul3A_117 : i32
      %add3A_119 = arith.constant 3 : i32
      %add3A_120 = arith.addi %mul3A_118, %add3A_119 : i32
      %mul3A_121 = arith.constant 4 : i32
      %mul3A_122 = arith.muli %scan3A_68, %mul3A_121 : i32
      %add3A_123 = arith.constant 3 : i32
      %add3A_124 = arith.addi %mul3A_122, %add3A_123 : i32
      %dma_start3A_125 = arith.constant 0 : i32
      %dma_start3A_126 = tpu.memref_slice %arg7[%add3A_120, %dma_start3A_125] : memref<80x125xf32, #tpu.memory_space<vmem>> -> memref<1x125xf32, #tpu.memory_space<vmem>>
      %dma_start3A_127 = tpu.memref_squeeze %dma_start3A_126 : memref<1x125xf32, #tpu.memory_space<vmem>> -> memref<125xf32, #tpu.memory_space<vmem>>
      %dma_start3A_128 = arith.constant 0 : i32
      %dma_start3A_129 = tpu.memref_slice %arg6[%add3A_124, %dma_start3A_128] : memref<80x125xi32, #tpu.memory_space<vmem>> -> memref<1x125xi32, #tpu.memory_space<vmem>>
      %dma_start3A_130 = tpu.memref_squeeze %dma_start3A_129 : memref<1x125xi32, #tpu.memory_space<vmem>> -> memref<125xi32, #tpu.memory_space<vmem>>
      %dma_start3A_131 = arith.constant 0 : i32
      %dma_start3A_132 = tpu.memref_slice %arg10[%dma_start3A_131] : memref<10240xf32, #tpu.memory_space<vmem_shared>> -> memref<10240xf32, #tpu.memory_space<vmem_shared>>
      tpu.enqueue_indirect_dma source(%dma_start3A_127 : memref<125xf32, #tpu.memory_space<vmem>>) target(%dma_start3A_132 : memref<10240xf32, #tpu.memory_space<vmem_shared>>) offsets(%dma_start3A_130 : memref<125xi32, #tpu.memory_space<vmem>>) semaphore(%arg12 : memref<!tpu.dma_semaphore, #tpu.memory_space<semaphore_mem>>) {add = true}
    }
    %scan3A_55 = arith.constant 20 : i32
    %scan3A_56 = arith.constant 0 : i32
    %scan3A_57 = arith.constant 0 : i32
    %scan3A_58 = arith.constant 20 : i32
    %scan3A_59 = arith.addi %scan3A_57, %scan3A_58 : i32
    %scan3A_60 = arith.constant 1 : i32
    scf.for %scan3A_68 = %scan3A_57 to %scan3A_59 step %scan3A_60  : i32 {
      %mul3A_69 = arith.constant 4 : i32
      %mul3A_70 = arith.muli %scan3A_68, %mul3A_69 : i32
      %add3A_71 = arith.constant 0 : i32
      %add3A_72 = arith.addi %mul3A_70, %add3A_71 : i32
      %mul3A_73 = arith.constant 4 : i32
      %mul3A_74 = arith.muli %scan3A_68, %mul3A_73 : i32
      %add3A_75 = arith.constant 0 : i32
      %add3A_76 = arith.addi %mul3A_74, %add3A_75 : i32
      %dma_wait3A_77 = arith.constant 0 : i32
      %dma_wait3A_78 = tpu.memref_slice %arg7[%add3A_72, %dma_wait3A_77] : memref<80x125xf32, #tpu.memory_space<vmem>> -> memref<1x125xf32, #tpu.memory_space<vmem>>
      %dma_wait3A_79 = tpu.memref_squeeze %dma_wait3A_78 : memref<1x125xf32, #tpu.memory_space<vmem>> -> memref<125xf32, #tpu.memory_space<vmem>>
      %dma_wait3A_80 = arith.constant 0 : i32
      %dma_wait3A_81 = tpu.memref_slice %arg6[%add3A_76, %dma_wait3A_80] : memref<80x125xi32, #tpu.memory_space<vmem>> -> memref<1x125xi32, #tpu.memory_space<vmem>>
      %dma_wait3A_82 = tpu.memref_squeeze %dma_wait3A_81 : memref<1x125xi32, #tpu.memory_space<vmem>> -> memref<125xi32, #tpu.memory_space<vmem>>
      %dma_wait3A_83 = arith.constant 0 : i32
      %dma_wait3A_84 = tpu.memref_slice %arg10[%dma_wait3A_83] : memref<10240xf32, #tpu.memory_space<vmem_shared>> -> memref<10240xf32, #tpu.memory_space<vmem_shared>>
      tpu.wait_indirect_dma semaphore(%arg12 : memref<!tpu.dma_semaphore, #tpu.memory_space<semaphore_mem>>) src(%dma_wait3A_79 : memref<125xf32, #tpu.memory_space<vmem>>) dst(%dma_wait3A_84 : memref<10240xf32, #tpu.memory_space<vmem_shared>>)
      %mul3A_85 = arith.constant 4 : i32
      %mul3A_86 = arith.muli %scan3A_68, %mul3A_85 : i32
      %add3A_87 = arith.constant 1 : i32
      %add3A_88 = arith.addi %mul3A_86, %add3A_87 : i32
      %mul3A_89 = arith.constant 4 : i32
      %mul3A_90 = arith.muli %scan3A_68, %mul3A_89 : i32
      %add3A_91 = arith.constant 1 : i32
      %add3A_92 = arith.addi %mul3A_90, %add3A_91 : i32
      %dma_wait3A_93 = arith.constant 0 : i32
      %dma_wait3A_94 = tpu.memref_slice %arg7[%add3A_88, %dma_wait3A_93] : memref<80x125xf32, #tpu.memory_space<vmem>> -> memref<1x125xf32, #tpu.memory_space<vmem>>
      %dma_wait3A_95 = tpu.memref_squeeze %dma_wait3A_94 : memref<1x125xf32, #tpu.memory_space<vmem>> -> memref<125xf32, #tpu.memory_space<vmem>>
      %dma_wait3A_96 = arith.constant 0 : i32
      %dma_wait3A_97 = tpu.memref_slice %arg6[%add3A_92, %dma_wait3A_96] : memref<80x125xi32, #tpu.memory_space<vmem>> -> memref<1x125xi32, #tpu.memory_space<vmem>>
      %dma_wait3A_98 = tpu.memref_squeeze %dma_wait3A_97 : memref<1x125xi32, #tpu.memory_space<vmem>> -> memref<125xi32, #tpu.memory_space<vmem>>
      %dma_wait3A_99 = arith.constant 0 : i32
      %dma_wait3A_100 = tpu.memref_slice %arg10[%dma_wait3A_99] : memref<10240xf32, #tpu.memory_space<vmem_shared>> -> memref<10240xf32, #tpu.memory_space<vmem_shared>>
      tpu.wait_indirect_dma semaphore(%arg12 : memref<!tpu.dma_semaphore, #tpu.memory_space<semaphore_mem>>) src(%dma_wait3A_95 : memref<125xf32, #tpu.memory_space<vmem>>) dst(%dma_wait3A_100 : memref<10240xf32, #tpu.memory_space<vmem_shared>>)
      %mul3A_101 = arith.constant 4 : i32
      %mul3A_102 = arith.muli %scan3A_68, %mul3A_101 : i32
      %add3A_103 = arith.constant 2 : i32
      %add3A_104 = arith.addi %mul3A_102, %add3A_103 : i32
      %mul3A_105 = arith.constant 4 : i32
      %mul3A_106 = arith.muli %scan3A_68, %mul3A_105 : i32
      %add3A_107 = arith.constant 2 : i32
      %add3A_108 = arith.addi %mul3A_106, %add3A_107 : i32
      %dma_wait3A_109 = arith.constant 0 : i32
      %dma_wait3A_110 = tpu.memref_slice %arg7[%add3A_104, %dma_wait3A_109] : memref<80x125xf32, #tpu.memory_space<vmem>> -> memref<1x125xf32, #tpu.memory_space<vmem>>
      %dma_wait3A_111 = tpu.memref_squeeze %dma_wait3A_110 : memref<1x125xf32, #tpu.memory_space<vmem>> -> memref<125xf32, #tpu.memory_space<vmem>>
      %dma_wait3A_112 = arith.constant 0 : i32
      %dma_wait3A_113 = tpu.memref_slice %arg6[%add3A_108, %dma_wait3A_112] : memref<80x125xi32, #tpu.memory_space<vmem>> -> memref<1x125xi32, #tpu.memory_space<vmem>>
      %dma_wait3A_114 = tpu.memref_squeeze %dma_wait3A_113 : memref<1x125xi32, #tpu.memory_space<vmem>> -> memref<125xi32, #tpu.memory_space<vmem>>
      %dma_wait3A_115 = arith.constant 0 : i32
      %dma_wait3A_116 = tpu.memref_slice %arg10[%dma_wait3A_115] : memref<10240xf32, #tpu.memory_space<vmem_shared>> -> memref<10240xf32, #tpu.memory_space<vmem_shared>>
      tpu.wait_indirect_dma semaphore(%arg12 : memref<!tpu.dma_semaphore, #tpu.memory_space<semaphore_mem>>) src(%dma_wait3A_111 : memref<125xf32, #tpu.memory_space<vmem>>) dst(%dma_wait3A_116 : memref<10240xf32, #tpu.memory_space<vmem_shared>>)
      %mul3A_117 = arith.constant 4 : i32
      %mul3A_118 = arith.muli %scan3A_68, %mul3A_117 : i32
      %add3A_119 = arith.constant 3 : i32
      %add3A_120 = arith.addi %mul3A_118, %add3A_119 : i32
      %mul3A_121 = arith.constant 4 : i32
      %mul3A_122 = arith.muli %scan3A_68, %mul3A_121 : i32
      %add3A_123 = arith.constant 3 : i32
      %add3A_124 = arith.addi %mul3A_122, %add3A_123 : i32
      %dma_wait3A_125 = arith.constant 0 : i32
      %dma_wait3A_126 = tpu.memref_slice %arg7[%add3A_120, %dma_wait3A_125] : memref<80x125xf32, #tpu.memory_space<vmem>> -> memref<1x125xf32, #tpu.memory_space<vmem>>
      %dma_wait3A_127 = tpu.memref_squeeze %dma_wait3A_126 : memref<1x125xf32, #tpu.memory_space<vmem>> -> memref<125xf32, #tpu.memory_space<vmem>>
      %dma_wait3A_128 = arith.constant 0 : i32
      %dma_wait3A_129 = tpu.memref_slice %arg6[%add3A_124, %dma_wait3A_128] : memref<80x125xi32, #tpu.memory_space<vmem>> -> memref<1x125xi32, #tpu.memory_space<vmem>>
      %dma_wait3A_130 = tpu.memref_squeeze %dma_wait3A_129 : memref<1x125xi32, #tpu.memory_space<vmem>> -> memref<125xi32, #tpu.memory_space<vmem>>
      %dma_wait3A_131 = arith.constant 0 : i32
      %dma_wait3A_132 = tpu.memref_slice %arg10[%dma_wait3A_131] : memref<10240xf32, #tpu.memory_space<vmem_shared>> -> memref<10240xf32, #tpu.memory_space<vmem_shared>>
      tpu.wait_indirect_dma semaphore(%arg12 : memref<!tpu.dma_semaphore, #tpu.memory_space<semaphore_mem>>) src(%dma_wait3A_127 : memref<125xf32, #tpu.memory_space<vmem>>) dst(%dma_wait3A_132 : memref<10240xf32, #tpu.memory_space<vmem_shared>>)
    }
    %scan3A_61 = arith.constant 20 : i32
    %barrier3A_62 = arith.constant 0 : index
    tpu.barrier barrier_id(%barrier3A_62)
    %eq3A_63 = arith.constant 0 : i32
    %eq3A_64 = arith.cmpi eq, %arg1, %eq3A_63 : i32
    %convert_element_type3A_65 = arith.extui %eq3A_64 : i1 to i32
    %cond3A_66 = arith.constant 0 : i32
    %cond3A_67 = arith.cmpi ne, %convert_element_type3A_65, %cond3A_66 : i32
    scf.if %cond3A_67 {
      "tpu.region"() ({
        %run_scoped3A = tpu.sem_alloc : memref<!tpu.dma_semaphore, #tpu.memory_space<semaphore_mem>>
        %dma_start3A_68 = arith.constant 0 : i32
        %dma_start3A_69 = tpu.memref_slice %arg4[%arg0, %dma_start3A_68] : memref<2x10240xf32, #tpu.memory_space<hbm>> -> memref<1x10240xf32, #tpu.memory_space<hbm>>
        %dma_start3A_70 = tpu.memref_squeeze %dma_start3A_69 : memref<1x10240xf32, #tpu.memory_space<hbm>> -> memref<10240xf32, #tpu.memory_space<hbm>>
        tpu.enqueue_dma source(%arg10 : memref<10240xf32, #tpu.memory_space<vmem_shared>>) target(%dma_start3A_70 : memref<10240xf32, #tpu.memory_space<hbm>>) target_semaphore(%run_scoped3A : memref<!tpu.dma_semaphore, #tpu.memory_space<semaphore_mem>>)
        %dma_wait3A_71 = arith.constant 0 : i32
        %dma_wait3A_72 = tpu.memref_slice %arg4[%arg0, %dma_wait3A_71] : memref<2x10240xf32, #tpu.memory_space<hbm>> -> memref<1x10240xf32, #tpu.memory_space<hbm>>
        %dma_wait3A_73 = tpu.memref_squeeze %dma_wait3A_72 : memref<1x10240xf32, #tpu.memory_space<hbm>> -> memref<10240xf32, #tpu.memory_space<hbm>>
        tpu.wait_dma2 semaphore(%run_scoped3A : memref<!tpu.dma_semaphore, #tpu.memory_space<semaphore_mem>>) src(%arg10 : memref<10240xf32, #tpu.memory_space<vmem_shared>>) dst(%dma_wait3A_73 : memref<10240xf32, #tpu.memory_space<hbm>>)
        tpu.yield
      }) : () -> ()
    } else {
    }
    return
  }
}

module attributes {stable_mosaic.version = 14 : i64} {
  func.func @_proj_body(%arg0: memref<10000x128xf32, #tpu.memory_space<vmem>>, %arg1: memref<128x1xf32, #tpu.memory_space<vmem>>, %arg2: memref<1x10000xf32, #tpu.memory_space<vmem>>) attributes {dimension_semantics = [], scalar_prefetch = 0 : i64, scratch_operands = 0 : i64, tpu.core_type = #tpu.core_type<tc>} {
    %get3A = arith.constant 0 : index
    %get3A_0 = arith.constant 0 : index
    %get3A_1 = vector.load %arg1[%get3A, %get3A_0] : memref<128x1xf32, #tpu.memory_space<vmem>>, vector<128x1xf32>
    %get3A_2 = arith.constant 0 : index
    %get3A_3 = arith.constant 0 : index
    %get3A_4 = vector.load %arg0[%get3A_2, %get3A_3] : memref<10000x128xf32, #tpu.memory_space<vmem>>, vector<10000x128xf32>
    %dot_general3A = arith.constant dense<0.000000e+00> : vector<1x10000xf32>
    %dot_general3A_5 = tpu.matmul %get3A_1, %get3A_4, %dot_general3A {dimension_numbers = #tpu.dot_dimension_numbers<[0], [1], [1], [0], [0, 1, 1, 0], [], []>, transpose_lhs_hint = false} : vector<128x1xf32>, vector<10000x128xf32>, vector<1x10000xf32> -> vector<1x10000xf32>
    %swap3A = arith.constant 0 : index
    %swap3A_6 = arith.constant 0 : index
    %swap3A_7 = vector.load %arg2[%swap3A, %swap3A_6] : memref<1x10000xf32, #tpu.memory_space<vmem>>, vector<1x10000xf32>
    tpu.vector_store %arg2[%swap3A, %swap3A_6], %dot_general3A_5 {strides = array<i32>} : memref<1x10000xf32, #tpu.memory_space<vmem>>, vector<1x10000xf32>,
    return
  }
}

module attributes {stable_mosaic.version = 14 : i64} {
  func.func @_pair_body(%arg0: i32, %arg1: memref<2x10240xf32, #tpu.memory_space<vmem>>, %arg2: memref<1x2048xf32, #tpu.memory_space<vmem>>) attributes {dimension_semantics = [#tpu.dimension_semantics<arbitrary>], iteration_bounds = array<i64: 5>, scalar_prefetch = 0 : i64, scratch_operands = 0 : i64, tpu.core_type = #tpu.core_type<tc>, window_params = [{pipeline_mode = #tpu.pipeline_mode<synchronous>, transform_indices = @transform_0, window_bounds = array<i64: 2, 10240>}, {transform_indices = @transform_1, window_bounds = array<i64: 1, 2048>}]} {
    %get3A = arith.constant 0 : index
    %get3A_0 = arith.constant 0 : index
    %get3A_1 = vector.load %arg1[%get3A, %get3A_0] : memref<2x10240xf32, #tpu.memory_space<vmem>>, vector<2x10240xf32>
    %slice3A = vector.extract_strided_slice %get3A_1 {offsets = [0, 0], sizes = [1, 10240], strides = [1, 1]} : vector<2x10240xf32> to vector<1x10240xf32>
    %slice3A_2 = vector.extract_strided_slice %get3A_1 {offsets = [1, 0], sizes = [1, 10240], strides = [1, 1]} : vector<2x10240xf32> to vector<1x10240xf32>
    %add3A = arith.addf %slice3A, %slice3A_2 : vector<1x10240xf32>
    %mul3A = arith.constant 1.000000e+03 : f32
    %mul3A_3 = vector.broadcast %mul3A : f32 to vector<1x10240xf32>
    %mul3A_4 = arith.mulf %add3A, %mul3A_3 : vector<1x10240xf32>
    %iota3A = tpu.iota {dimensions = array<i32: 1>} : vector<1x10240xi32>
    %lt3A = arith.constant 10000 : i32
    %lt3A_5 = vector.broadcast %lt3A : i32 to vector<1x10240xi32>
    %lt3A_6 = arith.cmpi slt, %iota3A, %lt3A_5 : vector<1x10240xi32>
    %jit3A = arith.constant 9.99999994E+32 : f32
    %broadcast_in_dim3A = vector.broadcast %jit3A : f32 to vector<1x10240xf32>
    %select_n3A = arith.select %lt3A_6, %mul3A_4, %broadcast_in_dim3A : vector<1x10240xi1>, vector<1x10240xf32>
    %mul3A_7 = arith.constant 2048 : i32
    %mul3A_8 = arith.muli %arg0, %mul3A_7 : i32
    %get3A_9 = arith.constant 0 : index
    %get3A_10 = arith.index_cast %mul3A_8 : i32 to index
    %get3A_11 = vector.load %arg1[%get3A_9, %get3A_10] : memref<2x10240xf32, #tpu.memory_space<vmem>>, vector<1x2048xf32>
    %mul3A_12 = arith.constant 2048 : i32
    %mul3A_13 = arith.muli %arg0, %mul3A_12 : i32
    %get3A_14 = arith.constant 1 : index
    %get3A_15 = arith.index_cast %mul3A_13 : i32 to index
    %get3A_16 = vector.load %arg1[%get3A_14, %get3A_15] : memref<2x10240xf32, #tpu.memory_space<vmem>>, vector<1x2048xf32>
    %add3A_17 = arith.addf %get3A_11, %get3A_16 : vector<1x2048xf32>
    %mul3A_18 = arith.constant 1.000000e+03 : f32
    %mul3A_19 = vector.broadcast %mul3A_18 : f32 to vector<1x2048xf32>
    %mul3A_20 = arith.mulf %add3A_17, %mul3A_19 : vector<1x2048xf32>
    %reshape3A = vector.shape_cast %mul3A_20 : vector<1x2048xf32> to vector<2048x1xf32>
    %sub3A = arith.constant 5.000000e+00 : f32
    %sub3A_21 = vector.broadcast %sub3A : f32 to vector<2048x1xf32>
    %sub3A_22 = arith.subf %reshape3A, %sub3A_21 : vector<2048x1xf32>
    %sub3A_23 = vector.broadcast %sub3A_22 : vector<2048x1xf32> to vector<2048x10240xf32>
    %sub3A_24 = vector.broadcast %select_n3A : vector<1x10240xf32> to vector<2048x10240xf32>
    %sub3A_25 = arith.subf %sub3A_23, %sub3A_24 : vector<2048x10240xf32>
    %tanh3A = math.tanh %sub3A_25 : vector<2048x10240xf32>
    %reduce_sum3A = arith.constant dense<0.000000e+00> : vector<2048xf32>
    %reduce_sum3A_26 = vector.multi_reduction <add>, %tanh3A, %reduce_sum3A [1] : vector<2048x10240xf32> to vector<2048xf32>
    %broadcast_in_dim3A_27 = vector.shape_cast %reduce_sum3A_26 : vector<2048xf32> to vector<2048x1xf32>
    %reshape3A_28 = vector.shape_cast %broadcast_in_dim3A_27 : vector<2048x1xf32> to vector<1x2048xf32>
    %add3A_29 = arith.constant 2.400000e+02 : f32
    %add3A_30 = vector.broadcast %add3A_29 : f32 to vector<1x2048xf32>
    %add3A_31 = arith.addf %reshape3A_28, %add3A_30 : vector<1x2048xf32>
    %swap3A = arith.constant 0 : index
    %swap3A_32 = arith.constant 0 : index
    %swap3A_33 = vector.load %arg2[%swap3A, %swap3A_32] : memref<1x2048xf32, #tpu.memory_space<vmem>>, vector<1x2048xf32>
    tpu.vector_store %arg2[%swap3A, %swap3A_32], %add3A_31 {strides = array<i32>} : memref<1x2048xf32, #tpu.memory_space<vmem>>, vector<1x2048xf32>,
    return
  }
  func.func @transform_0(%arg0: i32) -> (i32, i32) {
    %c0_i32 = arith.constant 0 : i32
    %c0_i32_0 = arith.constant 0 : i32
    %c0_i32_1 = arith.constant 0 : i32
    return %c0_i32, %c0_i32_0 : i32, i32
  }
  func.func @transform_1(%arg0: i32) -> (i32, i32) {
    %c0_i32 = arith.constant 0 : i32
    %c0_i32_0 = arith.constant 0 : i32
    return %c0_i32, %arg0 : i32, i32
  }
}

</mosaic_0001>

<sc_bundles>
// kernel: kernel.5.cloned.1.call-start
scs
__scs_entry_jumppad:
0x0: {  	(pc) =	sbr.rel $0x88, $3  }
0x1: {  	(tag) =	ssettag $0x0;
	lr =	simm.s32 $0x1  }
0x2: {  	[smem:$0x3F9E] =	sst lr;
	_ =	strace $0xD0000000  }
0x3: {  	_ = 	snop  }
0x4: {  	_ = 	snop  }
0x5: {  	_ = 	snop  }
0x6: {  	_ = 	snop  }
0x7: {  	_ = 	snop  }
__scs_overlays_trampoline_lowered:
0x8: {  	[smem:$0x3FAD] =	sst s0  }
0x9: {  	[smem:$0x3FAE] =	sst s1  }
0xa: {  	[smem:$0x3FAF] =	sst s2  }
0xb: {  	[smem:$0x3FB0] =	sst s3  }
0xc: {  	[smem:$0x3FB1] =	sst s4  }
0xd: {  	[smem:$0x3FB2] =	sst s5  }
0xe: {  	[smem:$0x3FB3] =	sst s6  }
0xf: {  	[smem:$0x3FB4] =	sst s7  }
0x10: {  	[smem:$0x3FB5] =	sst s8  }
0x11: {  	[smem:$0x3FB6] =	sst s9;
	s0 =	simm.s32 @!p0 $0x0  }
0x12: {  	s1 =	sld [smem:$0x3F9C];
	s0 =	simm.s32 @p0 $0x1  }
0x13: {  	[smem:$0x3FB7] =	sst s0;
	s0 =	simm.s32 @!p1 $0x0  }
0x14: {  	s2 =	sld [smem:$0x3F9B];
	s0 =	simm.s32 @p1 $0x1  }
0x15: {  	[smem:$0x3FB8] =	sst s0;
	s0 =	simm.s32 @!p2 $0x0  }
0x16: {  	s3 =	sld [smem:$0x3FDB];
	s0 =	simm.s32 @p2 $0x1  }
0x17: {  	s4 =	simm.s32 $0x1BF5;
	[smem:$0x3FBA] =	sst s0  }
0x18: {  	s0 =	sld [smem:$0x3F9D];
	_ =	swait.ge [sflag:s4], $0x0  }
0x19: {  	s7 =	sld [smem:$0x3F9E]  }
0x1a: {  	s8 =	sadd.s32 $0xFFFFE003, lr  }
0x1b: {  	s9 =	sadd.s32 $0xFFFFFEF7, lr;
	s5 =	simm.s32 $0xFFFFFFFF;
	p2 =	slt.u32 s8, $0xFFFFF086  }
0x1c: {  	p1 =	slt.u32 s9, $0xF7A;
	s5 =	simm.s32 @!p2 $0x0  }
0x1d: {  	s5 =	simm.s32 @p1 $0x1;
	p0 =	seq.s32 s7, s2  }
0x1e: {  	s7 =	smul.u32 @!p0 $0xF7A, s2;
	p2 =	seq.s32 @!p0 s5, $0x0  }
0x1f: {  	s9 =	smul.u32 $0xF7A, s1;
	s8 =	simm.s32 @!p0 $0x1BF5;
	p2 =	por !p2, p0  }
0x20: {  	[sflag:s8] =	ssyncset.s32 @!p0 $0xFFFFF086;
	s6 =	sadd.s32 @!p0 s3, s7;
	s7 =	simm.s32 @!p0 $0x108  }
0x21: {  	s3 =	sadd.s32 s3, s9;
	s6 =	sadd.s32 @!p0 $0x88, s6;
	s7 =	simm.s32 @p2 $0x1082  }
0x22: {  	[simem:s7], [sflag:s8] =	dma.local @!p0 [hbm:s6], $0xF7A  }
0x23: {  	s9 =	sor.u32 $0xD0000000, s2;
	s6 =	simm.s32 $0x108;
	_ =	swait.ge @!p0 [sflag:s8], $0x0  }
0x24: {  	s3 =	sadd.s32 $0x88, s3;
	s6 =	simm.s32 @!p1 $0x1082;
	[sflag:s4] =	ssyncset.s32 $0xFFFFF086  }
0x25: {  	[simem:s6], [sflag:s4] =	dma.local [hbm:s3], $0xF7A  }
0x26: {  	[smem:$0x3F9E] =	sst s1;
	(tag) =	ssettag s2;
	_ =	strace s9  }
0x27: {  	s1 =	sld [smem:$0x3FAE]  }
0x28: {  	s2 =	sld [smem:$0x3FAF]  }
0x29: {  	s4 =	sld [smem:$0x3FB1]  }
0x2a: {  	p0 =	seq.s32 s5, $0x0;
	s5 =	sld [smem:$0x3FB2]  }
0x2b: {  	s6 =	sld [smem:$0x3FB3]  }
0x2c: {  	s7 =	sld [smem:$0x3FB4]  }
0x2d: {  	s3 =	simm.s32 $0x108;
	s8 =	sld [smem:$0x3FB5]  }
0x2e: {  	s3 =	simm.s32 @!p0 $0x1082;
	s9 =	sld [smem:$0x3FB6]  }
0x2f: {  	lr =	sadd.s32 s0, s3;
	s0 =	sld [smem:$0x3FAD]  }
0x30: {  	s3 =	sld [smem:$0x3FB0]  }
0x31: {  	[smem:$0x3FB9] =	sst s10  }
0x32: {  	s10 =	sld [smem:$0x3FB7];
	_ =	sdelay $0x3  }
0x33: {  	p0 =	seq.s32 s10, $0x1;
	s10 =	sld [smem:$0x3FB9];
	_ =	sdelay $0x3  }
0x34: {  	[smem:$0x3FB9] =	sst s10  }
0x35: {  	s10 =	sld [smem:$0x3FB8];
	_ =	sdelay $0x3  }
0x36: {  	p1 =	seq.s32 s10, $0x1;
	s10 =	sld [smem:$0x3FB9];
	_ =	sdelay $0x3  }
0x37: {  	[smem:$0x3FB9] =	sst s10  }
0x38: {  	s10 =	sld [smem:$0x3FBA]  }
0x39: {  	_ = 	snop;
	(pc) =	sbr.ind lr, $3  }
0x3a: {  	_ = 	snop  }
0x3b: {  	_ = 	snop  }
0x3c: {  	p2 =	seq.s32 s10, $0x1;
	s10 =	sld [smem:$0x3FB9]  }
0x3d: {  	_ =	shalt  }
0x3e: {  	_ =	shalt  }
0x3f: {  	_ =	shalt  }
0x40: {  	_ =	shalt  }
0x41: {  	_ =	shalt  }
0x42: {  	_ =	shalt  }
0x43: {  	_ =	shalt  }
0x44: {  	_ =	shalt  }
0x45: {  	_ =	shalt  }
0x46: {  	_ =	shalt  }
0x47: {  	_ =	shalt  }
0x48: {  	_ =	shalt  }
0x49: {  	_ =	shalt  }
0x4a: {  	_ =	shalt  }
0x4b: {  	_ =	shalt  }
0x4c: {  	_ =	shalt  }
0x4d: {  	_ =	shalt  }
0x4e: {  	_ =	shalt  }
0x4f: {  	_ =	shalt  }
0x50: {  	_ =	shalt  }
0x51: {  	_ =	shalt  }
0x52: {  	_ =	shalt  }
0x53: {  	_ =	shalt  }
0x54: {  	_ =	shalt  }
0x55: {  	_ =	shalt  }
0x56: {  	_ =	shalt  }
0x57: {  	_ =	shalt  }
0x58: {  	_ =	shalt  }
0x59: {  	_ =	shalt  }
0x5a: {  	_ =	shalt  }
0x5b: {  	_ =	shalt  }
0x5c: {  	_ =	shalt  }
0x5d: {  	_ =	shalt  }
0x5e: {  	_ =	shalt  }
0x5f: {  	_ =	shalt  }
0x60: {  	_ =	shalt  }
0x61: {  	_ =	shalt  }
0x62: {  	_ =	shalt  }
0x63: {  	_ =	shalt  }
0x64: {  	_ =	shalt  }
0x65: {  	_ =	shalt  }
0x66: {  	_ =	shalt  }
0x67: {  	_ =	shalt  }
0x68: {  	_ =	shalt  }
0x69: {  	_ =	shalt  }
0x6a: {  	_ =	shalt  }
0x6b: {  	_ =	shalt  }
0x6c: {  	_ =	shalt  }
0x6d: {  	_ =	shalt  }
0x6e: {  	_ =	shalt  }
0x6f: {  	_ =	shalt  }
0x70: {  	_ =	shalt  }
0x71: {  	_ =	shalt  }
0x72: {  	_ =	shalt  }
0x73: {  	_ =	shalt  }
0x74: {  	_ =	shalt  }
0x75: {  	_ =	shalt  }
0x76: {  	_ =	shalt  }
0x77: {  	_ =	shalt  }
0x78: {  	_ =	shalt  }
0x79: {  	_ =	shalt  }
0x7a: {  	_ =	shalt  }
0x7b: {  	_ =	shalt  }
0x7c: {  	_ =	shalt  }
0x7d: {  	_ =	shalt  }
0x7e: {  	_ =	shalt  }
0x7f: {  	_ =	shalt  }
0x80: {  	_ =	shalt  }
0x81: {  	_ =	shalt  }
0x82: {  	_ =	shalt  }
0x83: {  	_ =	shalt  }
0x84: {  	_ =	shalt  }
0x85: {  	_ =	shalt  }
0x86: {  	_ =	shalt  }
0x87: {  	_ =	shalt  }
.Lfunc_end0:
.L_simem_size_0:
called_computation_lowered:
.L_overlay_start_0:
0x88: {  	s2 =	sld [smem:$0x3FD9]  }
0x89: {  	s3 =	sld [smem:$0x3FFE];
	_ =	sdelay $0x1  }
0x8a: {  	s1 =	srdreg.scid  }
0x8b: {  	s0 =	sand.u32 $0x1, s1  }
0x8c: {  	s17 =	sshll.u32 s0, $0xA;
	s2 =	sadd.s32 s3, s2  }
0x8d: {  	s2 =	sadd.s32 s2, s17  }
0x8e: {  	[smem:$0x3FC5] =	sst s2  }
0x8f: {  	_ = 	snop  }
0x90: {  	s2 =	sld [smem:$0x3FD0];
	(tm) =	ssettm $0x1  }
0x91: {  	s18 =	sld [smem:$0x3FFB];
	_ =	sdelay $0x3  }
0x92: {  	_ =	strace s18  }
0x93: {  	s3 =	sld [smem:$0x3FFC];
	_ =	sdelay $0x3  }
0x94: {  	_ =	strace s3  }
0x95: {  	s3 =	sld [smem:$0x3FFD];
	_ =	sdelay $0x3  }
0x96: {  	_ =	strace s3  }
0x97: {  	_ =	strace $0x8FFFFFFF  }
0x98: {  	s19 =	sld [smem:$0x3FDB];
	_ =	sdelay $0x1  }
0x99: {  	s4 =	simm.s32 $_scs_section_size  }
0x9a: {  	s5 =	simm.s32 $_size__tile_overlayer_lowered;
	s6 =	simm.s32 $_tile_overlayer_lowered  }
0x9b: {  	s22 =	simm.s32 $0x1BFF;
	s21 =	sshll.u32 s6, $0x1;
	s3 =	sadd.s32 s4, s19  }
0x9c: {  	s7 =	simm.s32 $0x0;
	s20 =	sshll.u32 s5, $0x1;
	s5 =	sadd.s32 s21, s3  }
0x9d: {  	[timem:s7], [sflag:s22] =	dma.local [hbm:s5], s20  }
0x9e: {  	_ =	swait.ge [sflag:s22], s20  }
0x9f: {  	s4 =	ssub.s32 $0x0, s20;
	[sflag:s22] =	ssyncset.done $0x0  }
0xa0: {  	[sflag:s22] =	ssyncadd.s32 s4;
	_ =	sdelay $0x1  }
0xa1: {  	s23 =	simm.s32 $0x1B8B  }
0xa2: {  	_ =	swait.ge [sflag:s23], $0x1  }
0xa3: {  	[sflag:s23] =	ssyncset.done $0x0  }
0xa4: {  	s25 =	simm.s32 $0x1B8E;
	s24 =	sld [smem:$0x3FFE];
	[sflag:s23] =	ssyncadd.s32 $0xFFFFFFFF  }
0xa5: {  	s26 =	simm.s32 $execute0_lowered;
	[smem:$0x3FD2] =	sst s25  }
0xa6: {  	s5 =	sshll.u32 s26, $0x1;
	_ =	strace $0x80000046;
	[dreg:$0x1] =	wrdreg $0xFFFFFFFF  }
0xa7: {  	s28 =	simm.s32 $_size_execute0_lowered;
	s3 =	sadd.s32 s3, s5;
	[dreg:$0x0] =	wrdreg $0x0  }
0xa8: {  	s5 =	sshll.u32 s28, $0x1;
	[dreg:$0x2] =	wrdreg s3  }
0xa9: {  	[dreg:$0x3] =	wrdreg s5  }
0xaa: {  	[dreg:$0x4] =	wrdreg $0xC0  }
0xab: {  	_ =	task [dreg:s7], $0x5FFFF  }
0xac: {  	[dreg:$0x1] =	wrdreg $0xFFFFFFFF  }
0xad: {  	[dreg:$0x0] =	wrdreg $0x60  }
0xae: {  	[dreg:$0x2] =	wrdreg s2  }
0xaf: {  	[dreg:$0x3] =	wrdreg s24  }
0xb0: {  	[dreg:$0x4] =	wrdreg $0x7CF80  }
0xb1: {  	[dreg:$0x5] =	wrdreg $0x7A800  }
0xb2: {  	[dreg:$0x6] =	wrdreg $0x9  }
0xb3: {  	_ =	task.clear_ibuf [dreg:s7], $0x7FFFF;
	_ =	strace $0x90000046  }
0xb4: {  	s29 =	simm.s32 $0x9;
	_ =	strace $0x80000048  }
0xb5: {  	_ =	swait.ge [sflag:s29], $0x1  }
0xb6: {  	[sflag:s29] =	ssyncadd.s32 $0xFFFFFFFF  }
0xb7: {  	_ =	strace $0x90000048  }
0xb8: {  	_ =	sfence  }
0xb9: {  	s30 =	sld [smem:$0x0];
	_ =	sdelay $0x2  }
0xba: {  	s31 =	sshll.u32 s1, $0xD;
	s1 =	sshrl.u32 s1, $0x2  }
0xbb: {  	s3 =	sand.u32 $0x4000, s31;
	s1 =	sadd.s32 s1, s30  }
0xbc: {  	s0 =	sor.u32 s3, s0;
	s1 =	sshll.u32 s1, $0x11  }
0xbd: {  	s0 =	sor.u32 s1, s0  }
0xbe: {  	s0 =	sadd.s32 $0x8F2B, s0  }
0xbf: {  	[sflag:s0] =	ssyncadd.remote.s32 $0x1  }
0xc0: {  	_ =	sfence.sel $0xFFFF  }
0xc1: {  	[dreg:$0x0] =	wrdreg $0xFFFFFFFF;
	(pc) =	sbr.abs _section_cstart, $3  }
0xc2: {  	[dreg:$0x1] =	wrdreg $0xFFFFFFFF  }
0xc3: {  	_ =	task.clear_ibuf [dreg:s7], $0x2FFFF;
	_ =	strace $0x9FFFFFFF  }
0xc4: {  	(tm) =	ssettm $0x7FFFFFFF  }
0xc5: {  	_ =	shalt  }
tec
execute0_lowered:
.L_overlay_start_1:
0x0: {  	(tag) =	ssettag $0x1  }
0x1: {  	s0 =	rddreg [dreg:$0x0]  }
0x2: {  	s5 =	rddreg [dreg:$0x1]  }
0x3: {  	s1 =	srdreg.scid;
	s2 =	rddreg [dreg:$0x2]  }
0x4: {  	s3 =	rddreg [dreg:$0x3];
	s10 =	stileid.u32  }
0x5: {  	s4 =	simm.s32 $0x0;
	s14 =	simm.s32 $0x2;
	s15 =	simm.s32 $0x7D  }
0x6: {  	s16 =	simm.s32 $0x1;
	s6 =	sand.u32 $0x1, s1;
	s1 =	rddreg [dreg:$0x4]  }
0x7: {  	s17 =	simm.s32 $0x0;
	[smem:$0x7FF] =	sst s4;
	s7 =	sshll.u32 s6, $0x4  }
0x8: {  	s11 =	smul.u32 $0xA00, s10;
	p0 =	sne.s32 s10, $0x0;
	s8 =	sor.u32 s10, s7  }
0x9: {  	_ =	strace $0x80000047;
	s6 =	ssub.s32 $0x2, s6;
	s8 =	smul.u32 $0x2800, s8  }
0xa: {  	s13 =	sshrl.u32 @!p0 s3, $0x3;
	s9 =	sshrl.u32 s6, $0x1;
	s12 =	sadd.s32 s7, s5  }
0xb: {  	s31 =	sshrl.u32 s11, $0x2;
	s10 =	simm.s32 $0x2800;
	s8 =	sshrl.u32 s8, $0x3  }
0xc: {  	s11 =	simm.s32 $0x7800;
	s9 =	ssub.s32 s6, s9;
	s8 =	sadd.s32 s8, s5  }
0xd: {  	s7 =	sadd.s32 s31, s2;
	s9 =	smax.u32 s9, $0x1;
	s5 =	sadd.s32 $0x600, s8  }
0xe: {  	v0 =	vimm.f32 $0.0e+00;
	s6 =	sadd.s32 $0xA600, s8;
	s8 =	sadd.s32 $0x14600, s12;
	s12 =	simm.s32 $0x3  }
.LBB2_1:
0xf: {  	[tilespmem:s4], [sflag:$0x2] =	stream.linear.gather [hbm4b:s5+s4], $0x2800, $0x38;
	[tilespmem:$0x7F78] =	vst v63  }
0x10: {  	_ = 	snop  }
0x11: {  	[tilespmem:s10], [sflag:$0x2] =	stream.linear.gather [hbm4b:s6+s4], $0x2800, $0x38;
	[tilespmem:$0x7F78] =	vst v63  }
0x12: {  	[tilespmem:$0x7800] =	vst v0  }
0x13: {  	[tilespmem:$0x7810] =	vst v0  }
0x14: {  	[tilespmem:$0x7820] =	vst v0  }
0x15: {  	[tilespmem:$0x7830] =	vst v0  }
0x16: {  	[tilespmem:$0x7840] =	vst v0  }
0x17: {  	[tilespmem:$0x7850] =	vst v0  }
0x18: {  	[tilespmem:$0x7860] =	vst v0  }
0x19: {  	[tilespmem:$0x7870] =	vst v0  }
0x1a: {  	[tilespmem:$0x7880] =	vst v0  }
0x1b: {  	[tilespmem:$0x7890] =	vst v0  }
0x1c: {  	[tilespmem:$0x78A0] =	vst v0  }
0x1d: {  	[tilespmem:$0x78B0] =	vst v0  }
0x1e: {  	[tilespmem:$0x78C0] =	vst v0  }
0x1f: {  	[tilespmem:$0x78D0] =	vst v0  }
0x20: {  	[tilespmem:$0x78E0] =	vst v0  }
0x21: {  	[tilespmem:$0x78F0] =	vst v0  }
0x22: {  	[tilespmem:$0x7900] =	vst v0  }
0x23: {  	[tilespmem:$0x7910] =	vst v0  }
0x24: {  	[tilespmem:$0x7920] =	vst v0  }
0x25: {  	[tilespmem:$0x7930] =	vst v0  }
0x26: {  	[tilespmem:$0x7940] =	vst v0  }
0x27: {  	[tilespmem:$0x7950] =	vst v0  }
0x28: {  	[tilespmem:$0x7960] =	vst v0  }
0x29: {  	[tilespmem:$0x7970] =	vst v0  }
0x2a: {  	[tilespmem:$0x7980] =	vst v0  }
0x2b: {  	[tilespmem:$0x7990] =	vst v0  }
0x2c: {  	[tilespmem:$0x79A0] =	vst v0  }
0x2d: {  	[tilespmem:$0x79B0] =	vst v0  }
0x2e: {  	[tilespmem:$0x79C0] =	vst v0  }
0x2f: {  	[tilespmem:$0x79D0] =	vst v0  }
0x30: {  	[tilespmem:$0x79E0] =	vst v0  }
0x31: {  	[tilespmem:$0x79F0] =	vst v0  }
0x32: {  	[tilespmem:$0x7A00] =	vst v0  }
0x33: {  	[tilespmem:$0x7A10] =	vst v0  }
0x34: {  	[tilespmem:$0x7A20] =	vst v0  }
0x35: {  	[tilespmem:$0x7A30] =	vst v0  }
0x36: {  	[tilespmem:$0x7A40] =	vst v0  }
0x37: {  	[tilespmem:$0x7A50] =	vst v0  }
0x38: {  	[tilespmem:$0x7A60] =	vst v0  }
0x39: {  	[tilespmem:$0x7A70] =	vst v0  }
0x3a: {  	[spmem:s7] =	stream.linear.scatter [tilespmem:s11], [sflag:$0x3], $0x280, $0x38;
	[tilespmem:$0x7F78] =	vst v63  }
0x3b: {  	_ =	swait.ge [sflag:s12], $0x280  }
0x3c: {  	[sflag:s12] =	ssyncset.done $0x0  }
0x3d: {  	s18 =	simm.s32 @!p0 $0x1C03;
	[sflag:s12] =	ssyncadd.s32 $0xFFFFFD80  }
0x3e: {  	[spmem:s13], [sflag:s18] =	dma.local @!p0 [hbm:s0], $0x4F0  }
0x3f: {  	s18 =	simm.s32 @!p0 $0x3  }
0x40: {  	_ =	swait.ge @!p0 [sflag:s18], $0x4F0  }
0x41: {  	[sflag:s18] =	ssyncset.done @!p0 $0x0  }
0x42: {  	[sflag:s18] =	ssyncadd.s32 @!p0 $0xFFFFFB10  }
0x43: {  	[bflag:$0x0] =	sbarrier.arrive $0xFFFF  }
0x44: {  	_ =	swait.ge [sflag:s14], $0x2800  }
0x45: {  	[sflag:s14] =	ssyncset.done $0x0  }
0x46: {  	[sflag:s14] =	ssyncadd.s32 $0xFFFFD800  }
0x47: {  	_ =	swait.ge [sflag:s14], $0x2800  }
0x48: {  	s26 =	simm.s32 $0x0;
	s19 =	simm.s32 $0x5000;
	[sflag:s14] =	ssyncset.done $0x0  }
0x49: {  	s28 =	simm.s32 $0x5080;
	s29 =	simm.s32 $0x80;
	[sflag:s14] =	ssyncadd.s32 $0xFFFFD800  }
0x4a: {  	[tilespmem:s19], [sflag:$0x1] =	stream.indirect.gather [spmem:s3], $0x1, s26, s15, $0xb8;
	[tilespmem:$0x7F78] =	vst v63  }
0x4b: {  	s30 =	simm.s32 $0x5100;
	s31 =	simm.s32 $0x100;
	s20 =	simm.s32 $0x5180  }
0x4c: {  	[tilespmem:s28], [sflag:$0x1] =	stream.indirect.gather [spmem:s3], $0x1, s29, s15, $0xb8;
	[tilespmem:$0x7F78] =	vst v63  }
0x4d: {  	s21 =	simm.s32 $0x180;
	s18 =	simm.s32 $0x200;
	s19 =	simm.s32 $0x1000  }
0x4e: {  	[tilespmem:s30], [sflag:$0x1] =	stream.indirect.gather [spmem:s3], $0x1, s31, s15, $0xb8;
	[tilespmem:$0x7F78] =	vst v63  }
.LBB2_2:
0x4f: {  	[tilespmem:s20], [sflag:$0x1] =	stream.indirect.gather [spmem:s3], $0x1, s21, s15, $0xb8;
	[tilespmem:$0x7F78] =	vst v63  }
0x50: {  	s20 =	smov.u32 s19;
	s23 =	sadd.s32 $0x800, s19  }
0x51: {  	p1 =	sne.s32 s19, $0x9800;
	s22 =	sshra.s32 s20, $0x2;
	s20 =	sadd.s32 $0x5000, s18  }
0x52: {  	[tilespmem:s20], [sflag:$0x1] =	stream.indirect.gather [spmem:s3], $0x1, s18, s15, $0xb8;
	[tilespmem:$0x7F78] =	vst v63  }
.Ltmp0:
0x53: {  	s21 =	sadd.s32 $0x80, s18;
	s20 =	sadd.s32 $0x5080, s18;
	(pc) =	sbr.rel @p1 .LBB2_2-.Ltmp0, $4  }
0x54: {  	[tilespmem:s20], [sflag:$0x1] =	stream.indirect.gather [spmem:s3], $0x1, s21, s15, $0xb8;
	[tilespmem:$0x7F78] =	vst v63  }
0x55: {  	s19 =	sadd.s32 $0x5100, s18;
	s20 =	sadd.s32 $0x100, s18;
	s21 =	sadd.s32 $0x180, s18  }
0x56: {  	[tilespmem:s19], [sflag:$0x1] =	stream.indirect.gather [spmem:s3], $0x1, s20, s15, $0xb8;
	[tilespmem:$0x7F78] =	vst v63  }
0x57: {  	s20 =	sadd.s32 $0x5180, s18;
	s18 =	smov.u32 s22;
	s19 =	smov.u32 s23  }
0x58: {  	[tilespmem:s20], [sflag:$0x1] =	stream.indirect.gather [spmem:s3], $0x1, s21, s15, $0xb8;
	[tilespmem:$0x7F78] =	vst v63  }
0x59: {  	s19 =	sadd.s32 $0x5000, s18  }
0x5a: {  	[tilespmem:s19], [sflag:$0x1] =	stream.indirect.gather [spmem:s3], $0x1, s18, s15, $0xb8;
	[tilespmem:$0x7F78] =	vst v63  }
0x5b: {  	s25 =	sadd.s32 $0x5080, s18;
	s26 =	sadd.s32 $0x80, s18  }
0x5c: {  	[tilespmem:s25], [sflag:$0x1] =	stream.indirect.gather [spmem:s3], $0x1, s26, s15, $0xb8;
	[tilespmem:$0x7F78] =	vst v63  }
0x5d: {  	s28 =	sadd.s32 $0x5100, s18;
	s29 =	sadd.s32 $0x100, s18  }
0x5e: {  	[tilespmem:s28], [sflag:$0x1] =	stream.indirect.gather [spmem:s3], $0x1, s29, s15, $0xb8;
	[tilespmem:$0x7F78] =	vst v63  }
0x5f: {  	s30 =	sadd.s32 $0x5180, s18;
	s31 =	sadd.s32 $0x180, s18  }
0x60: {  	[tilespmem:s30], [sflag:$0x1] =	stream.indirect.gather [spmem:s3], $0x1, s31, s15, $0xb8;
	[tilespmem:$0x7F78] =	vst v63  }
0x61: {  	_ =	swait.ge [sflag:s16], $0x7D  }
0x62: {  	[sflag:s16] =	ssyncset.done $0x0  }
0x63: {  	[sflag:s16] =	ssyncadd.s32 $0xFFFFFF83  }
0x64: {  	_ =	swait.ge [sflag:s16], $0x7D  }
0x65: {  	[sflag:s16] =	ssyncset.done $0x0  }
0x66: {  	[sflag:s16] =	ssyncadd.s32 $0xFFFFFF83  }
0x67: {  	_ =	swait.ge [sflag:s16], $0x7D  }
0x68: {  	[sflag:s16] =	ssyncset.done $0x0  }
0x69: {  	[sflag:s16] =	ssyncadd.s32 $0xFFFFFF83  }
0x6a: {  	_ =	swait.ge [sflag:s16], $0x7D  }
0x6b: {  	s18 =	simm.s32 $0x13;
	[sflag:s16] =	ssyncset.done $0x0  }
.LBB2_4:
0x6c: {  	p1 =	sne.s32 s18, $0x1;
	s18 =	sadd.s32 $0xFFFFFFFF, s18;
	[sflag:s16] =	ssyncadd.s32 $0xFFFFFF83  }
0x6d: {  	_ =	swait.ge [sflag:s16], $0x7D  }
0x6e: {  	[sflag:s16] =	ssyncset.done $0x0  }
0x6f: {  	[sflag:s16] =	ssyncadd.s32 $0xFFFFFF83  }
0x70: {  	_ =	swait.ge [sflag:s16], $0x7D  }
0x71: {  	[sflag:s16] =	ssyncset.done $0x0  }
0x72: {  	[sflag:s16] =	ssyncadd.s32 $0xFFFFFF83  }
.Ltmp1:
0x73: {  	_ =	swait.ge [sflag:s16], $0x7D;
	(pc) =	sbr.rel @p1 .LBB2_4-.Ltmp1, $4  }
0x74: {  	[sflag:s16] =	ssyncset.done $0x0  }
0x75: {  	[sflag:s16] =	ssyncadd.s32 $0xFFFFFF83  }
0x76: {  	_ =	swait.ge [sflag:s16], $0x7D  }
0x77: {  	[sflag:s16] =	ssyncset.done $0x0  }
0x78: {  	[sflag:s16] =	ssyncadd.s32 $0xFFFFFF83;
	s18 =	simm.s32 $0x5000  }
0x79: {  	s19 =	simm.s32 $0x2800;
	s28 =	simm.s32 $0x5080;
	s29 =	simm.s32 $0x2880  }
0x7a: {  	[spmem:s2] =	stream.indirect.scatter.add.f32 [tilespmem:s18], [sflag:$0x2], $0x1, s19, s15, $0xb8;
	[tilespmem:$0x7F78] =	vst v63  }
0x7b: {  	s30 =	simm.s32 $0x5100;
	s31 =	simm.s32 $0x2900;
	s20 =	simm.s32 $0x5180  }
0x7c: {  	[spmem:s2] =	stream.indirect.scatter.add.f32 [tilespmem:s28], [sflag:$0x2], $0x1, s29, s15, $0xb8;
	[tilespmem:$0x7F78] =	vst v63  }
0x7d: {  	s21 =	simm.s32 $0x2980;
	s18 =	simm.s32 $0x200;
	s19 =	simm.s32 $0x1000  }
0x7e: {  	[spmem:s2] =	stream.indirect.scatter.add.f32 [tilespmem:s30], [sflag:$0x2], $0x1, s31, s15, $0xb8;
	[tilespmem:$0x7F78] =	vst v63  }
.LBB2_6:
0x7f: {  	[spmem:s2] =	stream.indirect.scatter.add.f32 [tilespmem:s20], [sflag:$0x2], $0x1, s21, s15, $0xb8;
	[tilespmem:$0x7F78] =	vst v63  }
0x80: {  	s21 =	smov.u32 s18;
	s18 =	smov.u32 s19;
	p1 =	sne.s32 s19, $0x9800  }
0x81: {  	s18 =	sshra.s32 s19, $0x2;
	s20 =	sadd.s32 $0x5000, s21;
	s22 =	sadd.s32 $0x2800, s21  }
0x82: {  	[spmem:s2] =	stream.indirect.scatter.add.f32 [tilespmem:s20], [sflag:$0x2], $0x1, s22, s15, $0xb8;
	[tilespmem:$0x7F78] =	vst v63  }
.Ltmp2:
0x83: {  	s20 =	sadd.s32 $0x5080, s21;
	s22 =	sadd.s32 $0x2880, s21;
	(pc) =	sbr.rel @p1 .LBB2_6-.Ltmp2, $4  }
0x84: {  	[spmem:s2] =	stream.indirect.scatter.add.f32 [tilespmem:s20], [sflag:$0x2], $0x1, s22, s15, $0xb8;
	[tilespmem:$0x7F78] =	vst v63  }
0x85: {  	s23 =	sadd.s32 $0x2900, s21;
	s22 =	sadd.s32 $0x800, s19;
	s20 =	sadd.s32 $0x5100, s21  }
0x86: {  	[spmem:s2] =	stream.indirect.scatter.add.f32 [tilespmem:s20], [sflag:$0x2], $0x1, s23, s15, $0xb8;
	[tilespmem:$0x7F78] =	vst v63  }
0x87: {  	s19 =	smov.u32 s22;
	s20 =	sadd.s32 $0x5180, s21;
	s21 =	sadd.s32 $0x2980, s21  }
0x88: {  	[spmem:s2] =	stream.indirect.scatter.add.f32 [tilespmem:s20], [sflag:$0x2], $0x1, s21, s15, $0xb8;
	[tilespmem:$0x7F78] =	vst v63  }
0x89: {  	s19 =	sadd.s32 $0x5000, s18;
	s24 =	sadd.s32 $0x2800, s18  }
0x8a: {  	[spmem:s2] =	stream.indirect.scatter.add.f32 [tilespmem:s19], [sflag:$0x2], $0x1, s24, s15, $0xb8;
	[tilespmem:$0x7F78] =	vst v63  }
0x8b: {  	s25 =	sadd.s32 $0x5080, s18;
	s26 =	sadd.s32 $0x2880, s18  }
0x8c: {  	[spmem:s2] =	stream.indirect.scatter.add.f32 [tilespmem:s25], [sflag:$0x2], $0x1, s26, s15, $0xb8;
	[tilespmem:$0x7F78] =	vst v63  }
0x8d: {  	s28 =	sadd.s32 $0x5100, s18;
	s29 =	sadd.s32 $0x2900, s18  }
0x8e: {  	[spmem:s2] =	stream.indirect.scatter.add.f32 [tilespmem:s28], [sflag:$0x2], $0x1, s29, s15, $0xb8;
	[tilespmem:$0x7F78] =	vst v63  }
0x8f: {  	s30 =	sadd.s32 $0x5180, s18;
	s31 =	sadd.s32 $0x2980, s18  }
0x90: {  	[spmem:s2] =	stream.indirect.scatter.add.f32 [tilespmem:s30], [sflag:$0x2], $0x1, s31, s15, $0xb8;
	[tilespmem:$0x7F78] =	vst v63  }
0x91: {  	_ =	swait.ge [sflag:s14], $0x7D  }
0x92: {  	[sflag:s14] =	ssyncset.done $0x0  }
0x93: {  	[sflag:s14] =	ssyncadd.s32 $0xFFFFFF83  }
0x94: {  	_ =	swait.ge [sflag:s14], $0x7D  }
0x95: {  	[sflag:s14] =	ssyncset.done $0x0  }
0x96: {  	[sflag:s14] =	ssyncadd.s32 $0xFFFFFF83  }
0x97: {  	_ =	swait.ge [sflag:s14], $0x7D  }
0x98: {  	[sflag:s14] =	ssyncset.done $0x0  }
0x99: {  	[sflag:s14] =	ssyncadd.s32 $0xFFFFFF83  }
0x9a: {  	_ =	swait.ge [sflag:s14], $0x7D  }
0x9b: {  	s18 =	simm.s32 $0x13;
	[sflag:s14] =	ssyncset.done $0x0  }
.LBB2_8:
0x9c: {  	p1 =	sne.s32 s18, $0x1;
	s18 =	sadd.s32 $0xFFFFFFFF, s18;
	[sflag:s14] =	ssyncadd.s32 $0xFFFFFF83  }
0x9d: {  	_ =	swait.ge [sflag:s14], $0x7D  }
0x9e: {  	[sflag:s14] =	ssyncset.done $0x0  }
0x9f: {  	[sflag:s14] =	ssyncadd.s32 $0xFFFFFF83  }
0xa0: {  	_ =	swait.ge [sflag:s14], $0x7D  }
0xa1: {  	[sflag:s14] =	ssyncset.done $0x0  }
0xa2: {  	[sflag:s14] =	ssyncadd.s32 $0xFFFFFF83  }
.Ltmp3:
0xa3: {  	_ =	swait.ge [sflag:s14], $0x7D;
	(pc) =	sbr.rel @p1 .LBB2_8-.Ltmp3, $4  }
0xa4: {  	[sflag:s14] =	ssyncset.done $0x0  }
0xa5: {  	[sflag:s14] =	ssyncadd.s32 $0xFFFFFF83  }
0xa6: {  	_ =	swait.ge [sflag:s14], $0x7D  }
0xa7: {  	[sflag:s14] =	ssyncset.done $0x0  }
0xa8: {  	[sflag:s14] =	ssyncadd.s32 $0xFFFFFF83;
	s18 =	sshrl.u32 @!p0 s2, $0x3;
	s19 =	simm.s32 @!p0 $0x1  }
0xa9: {  	s20 =	simm.s32 @!p0 $0x20;
	s21 =	simm.s32 @!p0 $0x10;
	s17 =	sadd.s32 $0x1, s17  }
0xaa: {  	s22 =	simm.s32 @!p0 $0x1C03;
	[bflag:$0x0] =	sbarrier.arrive $0xFFFF;
	p1 =	sne.s32 s17, s9  }
0xab: {  	[hbm:s8@s20], [sflag:s22] =	dma.strided @!p0 [spmem:s18@s21], $0x500, s19, $0x10   }
.Ltmp4:
0xac: {  	_ = 	snop;
	(pc) =	sbr.rel @p1 .LBB2_1-.Ltmp4, $4  }
0xad: {  	s18 =	simm.s32 @!p0 $0x3  }
0xae: {  	_ =	swait.ge @!p0 [sflag:s18], $0x500  }
0xaf: {  	[sflag:s18] =	ssyncset.done @!p0 $0x0  }
0xb0: {  	[sflag:s18] =	ssyncadd.s32 @!p0 $0xFFFFFB00  }
0xb1: {  	_ =	sfence.sel $0x180000  }
0xb2: {  	[bflag:$0x0] =	sbarrier.arrive $0xFFFF  }
0xb3: {  	_ =	strace $0x90000047  }
0xb4: {  	s0 =	sadd.s32 @!p0 $0x100000, s1;
	[bflag:$0x2] =	sbarrier.arrive $0xFFFF  }
0xb5: {  	[sflag:s0] =	ssyncadd.tile.s32 @!p0 $0x1;
	_ =	shalt  }
.Lfunc_end2:
_tile_overlayer_lowered:
.L_overlay_start_2:
0xb6: {  	(tag) =	ssettag $0x2  }
0xb7: {  	s0 =	rddreg [dreg:$0x0];
	s2 =	stileid.u32  }
0xb8: {  	s1 =	rddreg [dreg:$0x1];
	p0 =	sne.s32 s2, $0x0  }
0xb9: {  	s3 =	rddreg [dreg:$0x2];
	[bflag:$0x3] =	sbarrier.arrive $0xFFFF;
	s2 =	simm.s32 @!p0 $0x1C03  }
0xba: {  	[timem:s3], [sflag:s2] =	dma.local @!p0 [hbm:s0], s1  }
0xbb: {  	s0 =	simm.s32 @!p0 $0x3  }
0xbc: {  	_ =	swait.ge @!p0 [sflag:s0], s1  }
0xbd: {  	s1 =	ssub.s32 @!p0 $0x0, s1;
	[sflag:s0] =	ssyncset.done @!p0 $0x0  }
0xbe: {  	[sflag:s0] =	ssyncadd.s32 @!p0 s1  }
0xbf: {  	[bflag:$0x3] =	sbarrier.arrive $0xFFFF  }
0xc0: {  	_ =	shalt  }

</sc_bundles>
